<compile_context>
chip_gen: v7x
topology: tpu7x:2x2x1
jax: 0.10.2.dev20260603
libtpu: 0.0.44.dev20260713+nightly
codegen_flags: <defaults>
</compile_context>

<pallas_src>
import jax
import jax.numpy as jnp
import numpy as np
from jax import lax
from jax.experimental import pallas as pl
from jax.experimental.pallas import tpu as pltpu
from jax.experimental.pallas import tpu_sc as plsc

F32 = jnp.float32

N = 50000
E = 800000
B = 256
K = 16
HD = 64
XF = 3 * K

NB = 2000
GN = N // NB
EB = 4000
GE = E // EB

NC = 2
NS = 16
NW = NC * NS
EPW = E // NW
C = 128
NCHUNK_G = -(-EPW // C)
G_LAST = EPW - C

EPT = E // NS
NCHUNK_S = EPT // C
S_TAIL = EPT - NCHUNK_S * C

SROW = 128

_j = np.arange(XF)
_S3 = (_j[:, None] % K == np.arange(K)[None, :]).astype(np.float32)
_T3 = np.ascontiguousarray(_S3.T)
_P1 = np.zeros((XF, XF), np.float32)
_P1[((_j // K + 1) % 3) * K + _j % K, _j] = 1.0
_P2 = np.zeros((XF, XF), np.float32)
_P2[((_j // K + 2) % 3) * K + _j % K, _j] = 1.0
_SEL = np.zeros((XF, 2 * SROW), np.float32)
_SEL[_j, _j] = 1.0
_SEL[_j, SROW + 64 + _j] = 1.0

NP = 50176
NR = NP // 2
NHR = NR // NC
NHN = NHR * 2
TROW = NHR
ACC_H = NHR + 8
CPR = NHR // C
NCPT = (CPR + NS - 1) // NS


def _silu(x):
    return x / (1.0 + jnp.exp(-x))


def _onehot(b):
    return (b[:, None] == lax.broadcasted_iota(jnp.int32, (b.shape[0], B), 1)
            ).astype(F32)


def _segsum(oh, x):
    return lax.dot_general(oh, x, (((0,), (0,)), ((), ())),
                           preferred_element_type=F32)



def n1_body(b_ref, x_ref, out_ref):
    i = pl.program_id(0)
    oh = _onehot(b_ref[0, 0, :])
    sums = _segsum(oh, x_ref[...])
    cnts = _segsum(oh, jnp.ones((NB, K), F32))
    blk = jnp.concatenate([sums, cnts], axis=1)

    @pl.when(i == 0)
    def _():
        out_ref[...] = blk

    @pl.when(i > 0)
    def _():
        out_ref[...] += blk


def n2_body(b_ref, x_ref, g1_ref, out_ref):
    i = pl.program_id(0)
    oh = _onehot(b_ref[0, 0, :])
    g1 = g1_ref[...]
    cnt16 = jnp.maximum(g1[:, XF:], 1.0)
    cnt48 = jnp.concatenate([cnt16, cnt16, cnt16], axis=1)
    mean = g1[:, :XF] / cnt48
    xc = x_ref[...] - jnp.dot(oh, mean, preferred_element_type=F32)
    x0, x1, x2 = xc[:, :K], xc[:, K:2 * K], xc[:, 2 * K:]
    nrm = jnp.sqrt(x0 * x0 + x1 * x1 + x2 * x2)
    blk = _segsum(oh, nrm)

    @pl.when(i == 0)
    def _():
        out_ref[...] = blk

    @pl.when(i > 0)
    def _():
        out_ref[...] += blk


def n3_body(b_ref, x_ref, h_ref, te_ref, g1_ref, g2_ref, wm1_ref, bm1_ref,
            lng_ref, lnb_ref, e3_ref, xn_ref, s_ref, t_ref, g3_ref):
    i = pl.program_id(0)
    oh = _onehot(b_ref[0, 0, :])
    g1 = g1_ref[...]
    cnt16 = jnp.maximum(g1[:, XF:], 1.0)
    cnt48 = jnp.concatenate([cnt16, cnt16, cnt16], axis=1)
    mean = g1[:, :XF] / cnt48
    xc = x_ref[...] - jnp.dot(oh, mean, preferred_element_type=F32)
    x0, x1, x2 = xc[:, :K], xc[:, K:2 * K], xc[:, 2 * K:]
    mn = g2_ref[...] / cnt16
    denom = jnp.dot(oh, mn, preferred_element_type=F32) + 1e-5
    e3 = e3_ref[...]
    xn = jnp.concatenate(
        [e3 * x0 / denom, e3 * x1 / denom, e3 * x2 / denom], axis=1)
    xn_ref[...] = xn

    h = h_ref[...]
    mu = jnp.mean(h, axis=1, keepdims=True)
    var = jnp.mean((h - mu) ** 2, axis=1, keepdims=True)
    hn = (h - mu) / jnp.sqrt(var + 1e-5) * lng_ref[...] + lnb_ref[...]

    wm1 = wm1_ref[...]
    w_t = wm1[0:HD, :]
    w_s = wm1[HD:2 * HD, :]
    w_te = wm1[2 * HD + K:, :]
    te2 = jnp.dot(te_ref[...], w_te, preferred_element_type=F32)
    a = (jnp.dot(hn, w_s, preferred_element_type=F32)
         + jnp.dot(oh, te2, preferred_element_type=F32)
         + bm1_ref[...])
    hwt = jnp.dot(hn, w_t, preferred_element_type=F32)
    pad = jnp.zeros((NB, SROW - HD - XF), F32)
    s_ref[...] = jnp.concatenate([xn, pad, a], axis=1)
    t_ref[...] = jnp.concatenate([xn, pad, hwt], axis=1)

    blk = _segsum(oh, xn)

    @pl.when(i == 0)
    def _():
        g3_ref[...] = blk

    @pl.when(i > 0)
    def _():
        g3_ref[...] += blk



def e1_body(src_ref, tgt_ref, gs_ref, gt_ref, g1_ref, g3_ref, s3_ref, t3_ref,
            p1_ref, p2_ref, sel_ref, wd_ref, wm2_ref, bm2_ref, wx1_ref,
            bx1_ref, wx2_ref, bx2_ref, wc1_ref, bc1_ref, wc2_ref, bc2_ref,
            out_ref):
    def mm(x, w):
        return jnp.dot(x, w, preferred_element_type=F32)

    gs = gs_ref[...]
    gt = gt_ref[...]
    s3 = s3_ref[...]
    t3 = t3_ref[...]
    xs = gs[:, :XF]
    xt = gt[:, :XF]
    rall = xs - xt
    rd = mm(rall * rall, s3)

    pre1 = (gs[:, HD:] + gt[:, HD:]
            + mm(rd, wd_ref[...]))
    mij = mm(_silu(pre1), wm2_ref[...]) + bm2_ref[...]
    hx = _silu(mm(mij, wx1_ref[...]) + bx1_ref[...])
    wx = jnp.clip(mm(hx, wx2_ref[...]) + bx2_ref[...], -10.0, 10.0)
    hc = _silu(mm(mij, wc1_ref[...]) + bc1_ref[...])
    wc = jnp.clip(mm(hc, wc2_ref[...]) + bc2_ref[...], -10.0, 10.0)

    inv3 = mm(1.0 / (1.0 + jnp.sqrt(rd + 1e-8)), t3)

    g1 = g1_ref[...]
    cnt16 = jnp.maximum(g1[:, XF:], 1.0)
    cnt48 = jnp.concatenate([cnt16, cnt16, cnt16], axis=1)
    m = g3_ref[...] / cnt48
    ohs = (src_ref[0, 0, :][:, None]
           == lax.broadcasted_iota(jnp.int32, (EB, B), 1)).astype(F32)
    oht = (tgt_ref[0, 0, :][:, None]
           == lax.broadcasted_iota(jnp.int32, (EB, B), 1)).astype(F32)
    cs = xs - mm(ohs, m)
    ct = xt - mm(oht, m)
    p1 = p1_ref[...]
    p2 = p2_ref[...]
    cr = mm(cs, p1) * mm(ct, p2) - mm(cs, p2) * mm(ct, p1)
    cinv3 = mm(1.0 / (1.0 + jnp.sqrt(mm(cr * cr, s3))), t3)
    o = rall * inv3 * mm(wx, t3) + cr * cinv3 * mm(wc, t3)
    par = (tgt_ref[0, 0, :] % 2).astype(F32)[:, None]
    sel = sel_ref[...]
    out_ref[...] = (mm(o * (1.0 - par), sel[:, :SROW])
                    + mm(o * par, sel[:, SROW:]))



def gather_sc_body(s_hbm, t_hbm, src_hbm, tgt_hbm, gs_hbm, gt_hbm,
                   idxs_v, idxt_v, rows_s, rows_t, sem):
    wid = lax.axis_index("s") * NC + lax.axis_index("c")
    wbase = wid * EPW

    def chunk(j, carry):
        cb = wbase + jnp.minimum(j * C, G_LAST)
        a = pltpu.async_copy(src_hbm.at[pl.ds(cb, C)], idxs_v, sem)
        b = pltpu.async_copy(tgt_hbm.at[pl.ds(cb, C)], idxt_v, sem)
        a.wait()
        b.wait()
        a = pltpu.async_copy(s_hbm.at[idxs_v], rows_s, sem)
        b = pltpu.async_copy(t_hbm.at[idxt_v], rows_t, sem)
        a.wait()
        b.wait()
        a = pltpu.async_copy(rows_s, gs_hbm.at[pl.ds(cb, C)], sem)
        b = pltpu.async_copy(rows_t, gt_hbm.at[pl.ds(cb, C)], sem)
        a.wait()
        b.wait()
        return carry

    lax.fori_loop(0, NCHUNK_G, chunk, 0)


def scatter_sc_body(ct_hbm, tgt_hbm, xnp_hbm, outp_hbm, acc_sh,
                    tbuf_v, lidx_v, crows_v, tbuf2_v, lidx2_v, crows2_v,
                    sem):
    c = lax.axis_index("c")
    s = lax.axis_index("s")
    nlo = c * NHN
    rlo = c * NHR

    def fill_iota(idxref, off):
        for g in range(C // 16):
            idxref[pl.ds(g * 16, 16)] = off + g * 16 + lax.iota(jnp.int32, 16)

    def init_chunk(k, carry):
        off = jnp.minimum(s * NCPT + k, CPR - 1) * C
        fill_iota(lidx_v, off)
        pltpu.sync_copy(xnp_hbm.at[pl.ds(rlo + off, C)], crows_v)
        pltpu.sync_copy(crows_v, acc_sh.at[lidx_v])
        return carry

    lax.fori_loop(0, NCPT, init_chunk, 0)
    plsc.subcore_barrier()

    ebase = s * EPT

    def localize(tbuf, lidx, count):
        for g in range(count // 16):
            v = tbuf[pl.ds(g * 16, 16)]
            loc = v - nlo
            ok = (loc >= 0) & (loc < NHN)
            lidx[pl.ds(g * 16, 16)] = jnp.where(ok, loc >> 1, TROW)

    def chunk(k, carry):
        eb = ebase + k * C
        a = pltpu.async_copy(tgt_hbm.at[pl.ds(eb, C)], tbuf_v, sem)
        b = pltpu.async_copy(ct_hbm.at[pl.ds(eb, C)], crows_v, sem)
        a.wait()
        b.wait()
        localize(tbuf_v, lidx_v, C)
        pltpu.sync_copy(crows_v, acc_sh.at[lidx_v], add=True)
        return carry

    lax.fori_loop(0, NCHUNK_S, chunk, 0)

    eb = ebase + NCHUNK_S * C
    pltpu.sync_copy(tgt_hbm.at[pl.ds(eb, S_TAIL)], tbuf2_v)
    pltpu.sync_copy(ct_hbm.at[pl.ds(eb, S_TAIL)], crows2_v)
    localize(tbuf2_v, lidx2_v, S_TAIL)
    pltpu.sync_copy(crows2_v, acc_sh.at[lidx2_v], add=True)

    plsc.subcore_barrier()

    def out_chunk(k, carry):
        off = jnp.minimum(s * NCPT + k, CPR - 1) * C
        fill_iota(lidx_v, off)
        pltpu.sync_copy(acc_sh.at[lidx_v], crows_v)
        pltpu.sync_copy(crows_v, outp_hbm.at[pl.ds(rlo + off, C)])
        return carry

    lax.fori_loop(0, NCPT, out_chunk, 0)



def _full(shape):
    nd = len(shape)
    return pl.BlockSpec(shape, lambda i, _nd=nd: (0,) * _nd)


def kernel(batch, X, H, edge_index, te, e3_weight, ln_gamma, ln_beta,
           Wm1, bm1, Wm2, bm2, Wx1, bx1, Wx2, bx2, Wc1, bc1, Wc2, bc2):
    batch3 = batch.astype(jnp.int32).reshape(GN, 1, NB)
    xf = X.reshape(N, XF)
    src = edge_index[0].astype(jnp.int32)
    tgt = edge_index[1].astype(jnp.int32)
    e3 = e3_weight.reshape(1, K)
    lng = ln_gamma.reshape(1, HD)
    lnb = ln_beta.reshape(1, HD)
    bm1r = bm1.reshape(1, HD)
    bm2r = bm2.reshape(1, HD)
    bx1r = bx1.reshape(1, HD)
    bx2r = bx2.reshape(1, K)
    bc1r = bc1.reshape(1, HD)
    bc2r = bc2.reshape(1, K)
    wd = Wm1[2 * HD:2 * HD + K, :]

    bspec = pl.BlockSpec((1, 1, NB), lambda i: (i, 0, 0))
    nspec = lambda w: pl.BlockSpec((NB, w), lambda i: (i, 0))

    g1 = pl.pallas_call(
        n1_body, grid=(GN,),
        in_specs=[bspec, nspec(XF)],
        out_specs=_full((B, HD)),
        out_shape=jax.ShapeDtypeStruct((B, HD), F32),
    )(batch3, xf)

    g2 = pl.pallas_call(
        n2_body, grid=(GN,),
        in_specs=[bspec, nspec(XF), _full((B, HD))],
        out_specs=_full((B, K)),
        out_shape=jax.ShapeDtypeStruct((B, K), F32),
    )(batch3, xf, g1)

    xn, s_tab, t_tab, g3 = pl.pallas_call(
        n3_body, grid=(GN,),
        in_specs=[bspec, nspec(XF), nspec(HD), _full((B, TDIM := te.shape[1])),
                  _full((B, HD)), _full((B, K)), _full((2 * HD + K + TDIM, HD)),
                  _full((1, HD)), _full((1, HD)), _full((1, HD)),
                  _full((1, K))],
        out_specs=[nspec(XF), nspec(SROW), nspec(SROW), _full((B, XF))],
        out_shape=[jax.ShapeDtypeStruct((N, XF), F32),
                   jax.ShapeDtypeStruct((N, SROW), F32),
                   jax.ShapeDtypeStruct((N, SROW), F32),
                   jax.ShapeDtypeStruct((B, XF), F32)],
    )(batch3, xf, H, te, g1, g2, Wm1, bm1r, lng, lnb, e3)

    mesh = plsc.VectorSubcoreMesh(core_axis_name="c", subcore_axis_name="s",
                                  num_cores=NC, num_subcores=NS)
    gs, gt = pl.kernel(
        gather_sc_body,
        out_type=[jax.ShapeDtypeStruct((E, SROW), F32),
                  jax.ShapeDtypeStruct((E, SROW), F32)],
        mesh=mesh,
        scratch_types=[pltpu.VMEM((C,), jnp.int32),
                       pltpu.VMEM((C,), jnp.int32),
                       pltpu.VMEM((C, SROW), F32),
                       pltpu.VMEM((C, SROW), F32),
                       pltpu.SemaphoreType.DMA],
    )(s_tab, t_tab, src, tgt)

    espec = lambda w: pl.BlockSpec((EB, w), lambda i: (i, 0))
    ispec = pl.BlockSpec((1, 1, EB), lambda i: (i, 0, 0))
    src3 = src.reshape(GE, 1, EB)
    tgt3 = tgt.reshape(GE, 1, EB)
    contrib = pl.pallas_call(
        e1_body, grid=(GE,),
        in_specs=[ispec, ispec, espec(SROW), espec(SROW), _full((B, HD)),
                  _full((B, XF)), _full((XF, K)), _full((K, XF)),
                  _full((XF, XF)), _full((XF, XF)), _full((XF, 2 * SROW)),
                  _full((K, HD)), _full((HD, HD)),
                  _full((1, HD)), _full((HD, HD)), _full((1, HD)),
                  _full((HD, K)), _full((1, K)), _full((HD, HD)),
                  _full((1, HD)), _full((HD, K)), _full((1, K))],
        out_specs=espec(SROW),
        out_shape=jax.ShapeDtypeStruct((E, SROW), F32),
    )(src3, tgt3, gs, gt, g1, g3, jnp.asarray(_S3), jnp.asarray(_T3),
      jnp.asarray(_P1), jnp.asarray(_P2), jnp.asarray(_SEL),
      wd, Wm2, bm2r, Wx1, bx1r, Wx2, bx2r, Wc1, bc1r, Wc2, bc2r)

    xn_pad = jnp.concatenate([xn, jnp.zeros((NP - N, XF), F32)], axis=0)
    xnp = jnp.pad(xn_pad.reshape(NR, 2, XF),
                  ((0, 0), (0, 0), (0, 16))).reshape(NR, SROW)

    outp = pl.kernel(
        scatter_sc_body,
        out_type=jax.ShapeDtypeStruct((NR, SROW), F32),
        mesh=plsc.VectorSubcoreMesh(core_axis_name="c", subcore_axis_name="s",
                                    num_cores=NC, num_subcores=NS),
        scratch_types=[pltpu.VMEM_SHARED((ACC_H, SROW), F32),
                       pltpu.VMEM((C,), jnp.int32),
                       pltpu.VMEM((C,), jnp.int32),
                       pltpu.VMEM((C, SROW), F32),
                       pltpu.VMEM((S_TAIL,), jnp.int32),
                       pltpu.VMEM((S_TAIL,), jnp.int32),
                       pltpu.VMEM((S_TAIL, SROW), F32),
                       pltpu.SemaphoreType.DMA],
    )(contrib, tgt, xnp)

    out = outp.reshape(NR, 2, 64)[:, :, :XF].reshape(NP, XF)[:N]
    return out.reshape(N, 3, K)

# --- scband reference (transcript-rebuilt; emitter-appended) ---
"""Pipeline reference for scband-xegnnk-47863115547369 (READ-ONLY COPY).

The authoritative reference and input builder live on the scoring server;
editing this copy changes nothing except your own understanding.
"""

import jax, jax.numpy as jnp
import numpy as np

N = 50000
E = 800000
B = 256
K = 16
HD = 64
TD = 64

def _mlp(x, W1, b1, W2, b2):
    h = jax.nn.silu(x @ W1 + b1)
    return h @ W2 + b2

def _scatter_mean(data, idx, num_segments):
    s = jax.ops.segment_sum(data, idx, num_segments=num_segments)
    ones = jnp.ones((data.shape[0],) + (1,) * (data.ndim - 1), data.dtype)
    c = jax.ops.segment_sum(ones, idx, num_segments=num_segments)
    return s / jnp.maximum(c, 1.0)

def setup_inputs(seed: int = 0):
    key = jax.random.key(seed)
    ks = jax.random.split(key, 12)
    batch = jnp.sort(jax.random.randint(ks[0], (N,), 0, B))
    X = jax.random.normal(ks[1], (N, 3, K), dtype=jnp.float32)
    H = jax.random.normal(ks[2], (N, HD), dtype=jnp.float32)
    edge_index = jax.random.randint(ks[3], (2, E), 0, N)
    te = jax.random.normal(ks[4], (B, TD), dtype=jnp.float32)
    def lin(k, fi, fo):
        bound = 1.0 / np.sqrt(fi)
        kw, kb = jax.random.split(k)
        W = jax.random.uniform(kw, (fi, fo), minval=-bound, maxval=bound, dtype=jnp.float32)
        b = jax.random.uniform(kb, (fo,), minval=-bound, maxval=bound, dtype=jnp.float32)
        return W, b
    msg_in = 2 * HD + K + TD
    Wm1, bm1 = lin(ks[5], msg_in, HD)
    Wm2, bm2 = lin(ks[6], HD, HD)
    Wx1, bx1 = lin(ks[7], HD, HD)
    Wx2, bx2 = lin(ks[8], HD, K)
    Wc1, bc1 = lin(ks[9], HD, HD)
    Wc2, bc2 = lin(ks[10], HD, K)
    return dict(batch=batch, X=X, H=H, edge_index=edge_index, te=te,
                e3_weight=jnp.ones((1, 1, K), jnp.float32),
                ln_gamma=jnp.ones((HD,), jnp.float32),
                ln_beta=jnp.zeros((HD,), jnp.float32),
                Wm1=Wm1, bm1=bm1, Wm2=Wm2, bm2=bm2,
                Wx1=Wx1, bx1=bx1, Wx2=Wx2, bx2=bx2,
                Wc1=Wc1, bc1=bc1, Wc2=Wc2, bc2=bc2)

def reference(batch, X, H, edge_index, te, e3_weight, ln_gamma, ln_beta,
              Wm1, bm1, Wm2, bm2, Wx1, bx1, Wx2, bx2, Wc1, bc1, Wc2, bc2):
    n = X.shape[0]
    X = X - _scatter_mean(X, batch, n)[batch]
    # E3Norm
    norm = jnp.linalg.norm(X, axis=1, keepdims=True)
    bs = te.shape[0]
    mean_norm = _scatter_mean(norm, batch, bs)
    X = e3_weight * X / (mean_norm[batch] + 1e-05)
    # BatchLayerNorm -> LayerNorm over feature dim
    mu = H.mean(axis=-1, keepdims=True)
    var = ((H - mu) ** 2).mean(axis=-1, keepdims=True)
    H = (H - mu) / jnp.sqrt(var + 1e-05) * ln_gamma + ln_beta
    source, target = edge_index[0], edge_index[1]
    rel_coors = X[source] - X[target]
    rel_dist = (rel_coors ** 2).sum(axis=1)
    m_in = jnp.concatenate([H[target], H[source], rel_dist, te[batch[source]]], axis=-1)
    m_ij = _mlp(m_in, Wm1, bm1, Wm2, bm2)
    coor_wij = jnp.clip(_mlp(m_ij, Wx1, bx1, Wx2, bx2), -10.0, 10.0)
    X_rel_norm = rel_coors / (1.0 + jnp.sqrt(rel_dist[:, None, :] + 1e-08))
    x_update = jax.ops.segment_sum(X_rel_norm * coor_wij[:, None, :], target, num_segments=n)
    X_out = X + x_update
    # cross-product branch (faithful to original, incl. mean[source] indexing)
    mean = _scatter_mean(X, batch, n)
    x_src = X[source] - mean[source]
    x_tgt = X[target] - mean[target]
    cross = jnp.cross(x_src, x_tgt, axis=1)
    cross = cross / (1.0 + jnp.linalg.norm(cross, axis=1, keepdims=True))
    coor_wij_cross = jnp.clip(_mlp(m_ij, Wc1, bc1, Wc2, bc2), -10.0, 10.0)
    x_update_cross = jax.ops.segment_sum(cross * coor_wij_cross[:, None, :], target, num_segments=n)
    X_out = X_out + x_update_cross
    return X_out

if __name__ == "__main__":
    import jax
    _d = setup_inputs()
    print(jax.jit(kernel)(*tuple(_d.values())))

</pallas_src>

<mosaic_0001>
#map = affine_map<(d0, d1) -> (0, 0)>
#map1 = affine_map<(d0, d1) -> (0)>
module attributes {stable_mosaic.version = 14 : i64} {
  func.func @gather_sc_body(%arg0: i32, %arg1: i32, %arg2: memref<50000x128xf32, #tpu.memory_space<hbm>>, %arg3: memref<50000x128xf32, #tpu.memory_space<hbm>>, %arg4: memref<800000xi32, #tpu.memory_space<hbm>>, %arg5: memref<800000xi32, #tpu.memory_space<hbm>>, %arg6: memref<800000x128xf32, #tpu.memory_space<hbm>>, %arg7: memref<800000x128xf32, #tpu.memory_space<hbm>>, %arg8: memref<128xi32, #tpu.memory_space<vmem>>, %arg9: memref<128xi32, #tpu.memory_space<vmem>>, %arg10: memref<128x128xf32, #tpu.memory_space<vmem>>, %arg11: memref<128x128xf32, #tpu.memory_space<vmem>>, %arg12: memref<!tpu.dma_semaphore, #tpu.memory_space<semaphore_mem>>) attributes {dimension_semantics = [#tpu.dimension_semantics<core_parallel>, #tpu.dimension_semantics<subcore_parallel>], iteration_bounds = array<i64: 2, 16>, scalar_prefetch = 0 : i64, scratch_operands = 5 : i64, tpu.core_type = #tpu.core_type<sc_vector_subcore>, window_params = [{transform_indices = #map}, {transform_indices = #map}, {transform_indices = #map1}, {transform_indices = #map1}, {transform_indices = #map}, {transform_indices = #map}]} {
    %mul3A = arith.constant 2 : i32
    %mul3A_0 = arith.muli %arg1, %mul3A : i32
    %add3A = arith.addi %mul3A_0, %arg0 : i32
    %mul3A_1 = arith.constant 25000 : i32
    %mul3A_2 = arith.muli %add3A, %mul3A_1 : i32
    %scan3A = arith.constant 0 : i32
    %scan3A_3 = arith.constant 0 : i32
    %scan3A_4 = arith.constant 196 : i32
    %scan3A_5 = arith.addi %scan3A_3, %scan3A_4 : i32
    %scan3A_6 = arith.constant 1 : i32
    scf.for %scan3A_8 = %scan3A_3 to %scan3A_5 step %scan3A_6  : i32 {
      %mul3A_9 = arith.constant 128 : i32
      %mul3A_10 = arith.muli %scan3A_8, %mul3A_9 : i32
      %min3A = arith.constant 24872 : i32
      %min3A_11 = arith.minsi %mul3A_10, %min3A : i32
      %add3A_12 = arith.addi %mul3A_2, %min3A_11 : i32
      %dma_start3A = tpu.memref_slice %arg4[%add3A_12] : memref<800000xi32, #tpu.memory_space<hbm>> -> memref<128xi32, #tpu.memory_space<hbm>>
      %dma_start3A_13 = tpu.memref_slice %arg4[%add3A_12] : memref<800000xi32, #tpu.memory_space<hbm>> -> memref<128xi32, #tpu.memory_space<hbm>>
      tpu.enqueue_dma source(%dma_start3A_13 : memref<128xi32, #tpu.memory_space<hbm>>) target(%arg8 : memref<128xi32, #tpu.memory_space<vmem>>) target_semaphore(%arg12 : memref<!tpu.dma_semaphore, #tpu.memory_space<semaphore_mem>>)
      %dma_start3A_14 = tpu.memref_slice %arg5[%add3A_12] : memref<800000xi32, #tpu.memory_space<hbm>> -> memref<128xi32, #tpu.memory_space<hbm>>
      %dma_start3A_15 = tpu.memref_slice %arg5[%add3A_12] : memref<800000xi32, #tpu.memory_space<hbm>> -> memref<128xi32, #tpu.memory_space<hbm>>
      tpu.enqueue_dma source(%dma_start3A_15 : memref<128xi32, #tpu.memory_space<hbm>>) target(%arg9 : memref<128xi32, #tpu.memory_space<vmem>>) target_semaphore(%arg12 : memref<!tpu.dma_semaphore, #tpu.memory_space<semaphore_mem>>)
      %dma_wait3A = tpu.memref_slice %arg4[%add3A_12] : memref<800000xi32, #tpu.memory_space<hbm>> -> memref<128xi32, #tpu.memory_space<hbm>>
      %dma_wait3A_16 = tpu.memref_slice %arg4[%add3A_12] : memref<800000xi32, #tpu.memory_space<hbm>> -> memref<128xi32, #tpu.memory_space<hbm>>
      tpu.wait_dma2 semaphore(%arg12 : memref<!tpu.dma_semaphore, #tpu.memory_space<semaphore_mem>>) src(%dma_wait3A_16 : memref<128xi32, #tpu.memory_space<hbm>>) dst(%arg8 : memref<128xi32, #tpu.memory_space<vmem>>)
      %dma_wait3A_17 = tpu.memref_slice %arg5[%add3A_12] : memref<800000xi32, #tpu.memory_space<hbm>> -> memref<128xi32, #tpu.memory_space<hbm>>
      %dma_wait3A_18 = tpu.memref_slice %arg5[%add3A_12] : memref<800000xi32, #tpu.memory_space<hbm>> -> memref<128xi32, #tpu.memory_space<hbm>>
      tpu.wait_dma2 semaphore(%arg12 : memref<!tpu.dma_semaphore, #tpu.memory_space<semaphore_mem>>) src(%dma_wait3A_18 : memref<128xi32, #tpu.memory_space<hbm>>) dst(%arg9 : memref<128xi32, #tpu.memory_space<vmem>>)
      %dma_start3A_19 = arith.constant 0 : i32
      %dma_start3A_20 = arith.constant 0 : i32
      %dma_start3A_21 = tpu.memref_slice %arg2[%dma_start3A_19, %dma_start3A_20] : memref<50000x128xf32, #tpu.memory_space<hbm>> -> memref<50000x128xf32, #tpu.memory_space<hbm>>
      tpu.enqueue_indirect_dma source(%dma_start3A_21 : memref<50000x128xf32, #tpu.memory_space<hbm>>) target(%arg10 : memref<128x128xf32, #tpu.memory_space<vmem>>) offsets(%arg8 : memref<128xi32, #tpu.memory_space<vmem>>) semaphore(%arg12 : memref<!tpu.dma_semaphore, #tpu.memory_space<semaphore_mem>>)
      %dma_start3A_22 = arith.constant 0 : i32
      %dma_start3A_23 = arith.constant 0 : i32
      %dma_start3A_24 = tpu.memref_slice %arg3[%dma_start3A_22, %dma_start3A_23] : memref<50000x128xf32, #tpu.memory_space<hbm>> -> memref<50000x128xf32, #tpu.memory_space<hbm>>
      tpu.enqueue_indirect_dma source(%dma_start3A_24 : memref<50000x128xf32, #tpu.memory_space<hbm>>) target(%arg11 : memref<128x128xf32, #tpu.memory_space<vmem>>) offsets(%arg9 : memref<128xi32, #tpu.memory_space<vmem>>) semaphore(%arg12 : memref<!tpu.dma_semaphore, #tpu.memory_space<semaphore_mem>>)
      %dma_wait3A_25 = arith.constant 0 : i32
      %dma_wait3A_26 = arith.constant 0 : i32
      %dma_wait3A_27 = tpu.memref_slice %arg2[%dma_wait3A_25, %dma_wait3A_26] : memref<50000x128xf32, #tpu.memory_space<hbm>> -> memref<50000x128xf32, #tpu.memory_space<hbm>>
      tpu.wait_indirect_dma semaphore(%arg12 : memref<!tpu.dma_semaphore, #tpu.memory_space<semaphore_mem>>) src(%dma_wait3A_27 : memref<50000x128xf32, #tpu.memory_space<hbm>>) dst(%arg10 : memref<128x128xf32, #tpu.memory_space<vmem>>)
      %dma_wait3A_28 = arith.constant 0 : i32
      %dma_wait3A_29 = arith.constant 0 : i32
      %dma_wait3A_30 = tpu.memref_slice %arg3[%dma_wait3A_28, %dma_wait3A_29] : memref<50000x128xf32, #tpu.memory_space<hbm>> -> memref<50000x128xf32, #tpu.memory_space<hbm>>
      tpu.wait_indirect_dma semaphore(%arg12 : memref<!tpu.dma_semaphore, #tpu.memory_space<semaphore_mem>>) src(%dma_wait3A_30 : memref<50000x128xf32, #tpu.memory_space<hbm>>) dst(%arg11 : memref<128x128xf32, #tpu.memory_space<vmem>>)
      %dma_start3A_31 = arith.constant 0 : i32
      %dma_start3A_32 = tpu.memref_slice %arg6[%add3A_12, %dma_start3A_31] : memref<800000x128xf32, #tpu.memory_space<hbm>> -> memref<128x128xf32, #tpu.memory_space<hbm>>
      %dma_start3A_33 = arith.constant 0 : i32
      %dma_start3A_34 = tpu.memref_slice %arg6[%add3A_12, %dma_start3A_33] : memref<800000x128xf32, #tpu.memory_space<hbm>> -> memref<128x128xf32, #tpu.memory_space<hbm>>
      tpu.enqueue_dma source(%arg10 : memref<128x128xf32, #tpu.memory_space<vmem>>) target(%dma_start3A_34 : memref<128x128xf32, #tpu.memory_space<hbm>>) target_semaphore(%arg12 : memref<!tpu.dma_semaphore, #tpu.memory_space<semaphore_mem>>)
      %dma_start3A_35 = arith.constant 0 : i32
      %dma_start3A_36 = tpu.memref_slice %arg7[%add3A_12, %dma_start3A_35] : memref<800000x128xf32, #tpu.memory_space<hbm>> -> memref<128x128xf32, #tpu.memory_space<hbm>>
      %dma_start3A_37 = arith.constant 0 : i32
      %dma_start3A_38 = tpu.memref_slice %arg7[%add3A_12, %dma_start3A_37] : memref<800000x128xf32, #tpu.memory_space<hbm>> -> memref<128x128xf32, #tpu.memory_space<hbm>>
      tpu.enqueue_dma source(%arg11 : memref<128x128xf32, #tpu.memory_space<vmem>>) target(%dma_start3A_38 : memref<128x128xf32, #tpu.memory_space<hbm>>) target_semaphore(%arg12 : memref<!tpu.dma_semaphore, #tpu.memory_space<semaphore_mem>>)
      %dma_wait3A_39 = arith.constant 0 : i32
      %dma_wait3A_40 = tpu.memref_slice %arg6[%add3A_12, %dma_wait3A_39] : memref<800000x128xf32, #tpu.memory_space<hbm>> -> memref<128x128xf32, #tpu.memory_space<hbm>>
      %dma_wait3A_41 = arith.constant 0 : i32
      %dma_wait3A_42 = tpu.memref_slice %arg6[%add3A_12, %dma_wait3A_41] : memref<800000x128xf32, #tpu.memory_space<hbm>> -> memref<128x128xf32, #tpu.memory_space<hbm>>
      tpu.wait_dma2 semaphore(%arg12 : memref<!tpu.dma_semaphore, #tpu.memory_space<semaphore_mem>>) src(%arg10 : memref<128x128xf32, #tpu.memory_space<vmem>>) dst(%dma_wait3A_42 : memref<128x128xf32, #tpu.memory_space<hbm>>)
      %dma_wait3A_43 = arith.constant 0 : i32
      %dma_wait3A_44 = tpu.memref_slice %arg7[%add3A_12, %dma_wait3A_43] : memref<800000x128xf32, #tpu.memory_space<hbm>> -> memref<128x128xf32, #tpu.memory_space<hbm>>
      %dma_wait3A_45 = arith.constant 0 : i32
      %dma_wait3A_46 = tpu.memref_slice %arg7[%add3A_12, %dma_wait3A_45] : memref<800000x128xf32, #tpu.memory_space<hbm>> -> memref<128x128xf32, #tpu.memory_space<hbm>>
      tpu.wait_dma2 semaphore(%arg12 : memref<!tpu.dma_semaphore, #tpu.memory_space<semaphore_mem>>) src(%arg11 : memref<128x128xf32, #tpu.memory_space<vmem>>) dst(%dma_wait3A_46 : memref<128x128xf32, #tpu.memory_space<hbm>>)
    }
    %scan3A_7 = arith.constant 196 : i32
    return
  }
}

#map = affine_map<(d0, d1) -> (0, 0)>
#map1 = affine_map<(d0, d1) -> (0)>
module attributes {stable_mosaic.version = 14 : i64} {
  func.func @scatter_sc_body(%arg0: i32, %arg1: i32, %arg2: memref<800000x128xf32, #tpu.memory_space<hbm>>, %arg3: memref<800000xi32, #tpu.memory_space<hbm>>, %arg4: memref<25088x128xf32, #tpu.memory_space<hbm>>, %arg5: memref<25088x128xf32, #tpu.memory_space<hbm>>, %arg6: memref<12552x128xf32, #tpu.memory_space<vmem_shared>>, %arg7: memref<128xi32, #tpu.memory_space<vmem>>, %arg8: memref<128xi32, #tpu.memory_space<vmem>>, %arg9: memref<128x128xf32, #tpu.memory_space<vmem>>, %arg10: memref<80xi32, #tpu.memory_space<vmem>>, %arg11: memref<80xi32, #tpu.memory_space<vmem>>, %arg12: memref<80x128xf32, #tpu.memory_space<vmem>>, %arg13: memref<!tpu.dma_semaphore, #tpu.memory_space<semaphore_mem>>) attributes {dimension_semantics = [#tpu.dimension_semantics<core_parallel>, #tpu.dimension_semantics<subcore_parallel>], iteration_bounds = array<i64: 2, 16>, scalar_prefetch = 0 : i64, scratch_operands = 8 : i64, tpu.core_type = #tpu.core_type<sc_vector_subcore>, window_params = [{transform_indices = #map}, {transform_indices = #map1}, {transform_indices = #map}, {transform_indices = #map}]} {
    %mul3A = arith.constant 25088 : i32
    %mul3A_0 = arith.muli %arg0, %mul3A : i32
    %mul3A_1 = arith.constant 12544 : i32
    %mul3A_2 = arith.muli %arg0, %mul3A_1 : i32
    %scan3A = arith.constant 0 : i32
    %scan3A_3 = arith.constant 0 : i32
    %scan3A_4 = arith.constant 7 : i32
    %scan3A_5 = arith.addi %scan3A_3, %scan3A_4 : i32
    %scan3A_6 = arith.constant 1 : i32
    scf.for %scan3A_124 = %scan3A_3 to %scan3A_5 step %scan3A_6  : i32 {
      %mul3A_125 = arith.constant 7 : i32
      %mul3A_126 = arith.muli %arg1, %mul3A_125 : i32
      %add3A_127 = arith.addi %mul3A_126, %scan3A_124 : i32
      %min3A = arith.constant 97 : i32
      %min3A_128 = arith.minsi %add3A_127, %min3A : i32
      %mul3A_129 = arith.constant 128 : i32
      %mul3A_130 = arith.muli %min3A_128, %mul3A_129 : i32
      %add3A_131 = arith.constant 0 : i32
      %add3A_132 = arith.addi %mul3A_130, %add3A_131 : i32
      %iota3A = tpu.iota {dimensions = array<i32: 0>} : vector<16xi32>
      %add3A_133 = vector.broadcast %add3A_132 : i32 to vector<16xi32>
      %add3A_134 = arith.addi %add3A_133, %iota3A : vector<16xi32>
      %swap3A_135 = arith.constant 0 : index
      %swap3A_136 = tpu.vector_load %arg8[%swap3A_135] {strides = array<i32>} : memref<128xi32, #tpu.memory_space<vmem>>, vector<16xi32>,
      %swap3A_137 = vector.shape_cast %swap3A_136 : vector<16xi32> to vector<16xi32>
      %swap3A_138 = vector.shape_cast %add3A_134 : vector<16xi32> to vector<16xi32>
      tpu.vector_store %arg8[%swap3A_135], %swap3A_138 {strides = array<i32>} : memref<128xi32, #tpu.memory_space<vmem>>, vector<16xi32>,
      %add3A_139 = arith.constant 16 : i32
      %add3A_140 = arith.addi %mul3A_130, %add3A_139 : i32
      %iota3A_141 = tpu.iota {dimensions = array<i32: 0>} : vector<16xi32>
      %add3A_142 = vector.broadcast %add3A_140 : i32 to vector<16xi32>
      %add3A_143 = arith.addi %add3A_142, %iota3A_141 : vector<16xi32>
      %swap3A_144 = arith.constant 16 : index
      %swap3A_145 = tpu.vector_load %arg8[%swap3A_144] {strides = array<i32>} : memref<128xi32, #tpu.memory_space<vmem>>, vector<16xi32>,
      %swap3A_146 = vector.shape_cast %swap3A_145 : vector<16xi32> to vector<16xi32>
      %swap3A_147 = vector.shape_cast %add3A_143 : vector<16xi32> to vector<16xi32>
      tpu.vector_store %arg8[%swap3A_144], %swap3A_147 {strides = array<i32>} : memref<128xi32, #tpu.memory_space<vmem>>, vector<16xi32>,
      %add3A_148 = arith.constant 32 : i32
      %add3A_149 = arith.addi %mul3A_130, %add3A_148 : i32
      %iota3A_150 = tpu.iota {dimensions = array<i32: 0>} : vector<16xi32>
      %add3A_151 = vector.broadcast %add3A_149 : i32 to vector<16xi32>
      %add3A_152 = arith.addi %add3A_151, %iota3A_150 : vector<16xi32>
      %swap3A_153 = arith.constant 32 : index
      %swap3A_154 = tpu.vector_load %arg8[%swap3A_153] {strides = array<i32>} : memref<128xi32, #tpu.memory_space<vmem>>, vector<16xi32>,
      %swap3A_155 = vector.shape_cast %swap3A_154 : vector<16xi32> to vector<16xi32>
      %swap3A_156 = vector.shape_cast %add3A_152 : vector<16xi32> to vector<16xi32>
      tpu.vector_store %arg8[%swap3A_153], %swap3A_156 {strides = array<i32>} : memref<128xi32, #tpu.memory_space<vmem>>, vector<16xi32>,
      %add3A_157 = arith.constant 48 : i32
      %add3A_158 = arith.addi %mul3A_130, %add3A_157 : i32
      %iota3A_159 = tpu.iota {dimensions = array<i32: 0>} : vector<16xi32>
      %add3A_160 = vector.broadcast %add3A_158 : i32 to vector<16xi32>
      %add3A_161 = arith.addi %add3A_160, %iota3A_159 : vector<16xi32>
      %swap3A_162 = arith.constant 48 : index
      %swap3A_163 = tpu.vector_load %arg8[%swap3A_162] {strides = array<i32>} : memref<128xi32, #tpu.memory_space<vmem>>, vector<16xi32>,
      %swap3A_164 = vector.shape_cast %swap3A_163 : vector<16xi32> to vector<16xi32>
      %swap3A_165 = vector.shape_cast %add3A_161 : vector<16xi32> to vector<16xi32>
      tpu.vector_store %arg8[%swap3A_162], %swap3A_165 {strides = array<i32>} : memref<128xi32, #tpu.memory_space<vmem>>, vector<16xi32>,
      %add3A_166 = arith.constant 64 : i32
      %add3A_167 = arith.addi %mul3A_130, %add3A_166 : i32
      %iota3A_168 = tpu.iota {dimensions = array<i32: 0>} : vector<16xi32>
      %add3A_169 = vector.broadcast %add3A_167 : i32 to vector<16xi32>
      %add3A_170 = arith.addi %add3A_169, %iota3A_168 : vector<16xi32>
      %swap3A_171 = arith.constant 64 : index
      %swap3A_172 = tpu.vector_load %arg8[%swap3A_171] {strides = array<i32>} : memref<128xi32, #tpu.memory_space<vmem>>, vector<16xi32>,
      %swap3A_173 = vector.shape_cast %swap3A_172 : vector<16xi32> to vector<16xi32>
      %swap3A_174 = vector.shape_cast %add3A_170 : vector<16xi32> to vector<16xi32>
      tpu.vector_store %arg8[%swap3A_171], %swap3A_174 {strides = array<i32>} : memref<128xi32, #tpu.memory_space<vmem>>, vector<16xi32>,
      %add3A_175 = arith.constant 80 : i32
      %add3A_176 = arith.addi %mul3A_130, %add3A_175 : i32
      %iota3A_177 = tpu.iota {dimensions = array<i32: 0>} : vector<16xi32>
      %add3A_178 = vector.broadcast %add3A_176 : i32 to vector<16xi32>
      %add3A_179 = arith.addi %add3A_178, %iota3A_177 : vector<16xi32>
      %swap3A_180 = arith.constant 80 : index
      %swap3A_181 = tpu.vector_load %arg8[%swap3A_180] {strides = array<i32>} : memref<128xi32, #tpu.memory_space<vmem>>, vector<16xi32>,
      %swap3A_182 = vector.shape_cast %swap3A_181 : vector<16xi32> to vector<16xi32>
      %swap3A_183 = vector.shape_cast %add3A_179 : vector<16xi32> to vector<16xi32>
      tpu.vector_store %arg8[%swap3A_180], %swap3A_183 {strides = array<i32>} : memref<128xi32, #tpu.memory_space<vmem>>, vector<16xi32>,
      %add3A_184 = arith.constant 96 : i32
      %add3A_185 = arith.addi %mul3A_130, %add3A_184 : i32
      %iota3A_186 = tpu.iota {dimensions = array<i32: 0>} : vector<16xi32>
      %add3A_187 = vector.broadcast %add3A_185 : i32 to vector<16xi32>
      %add3A_188 = arith.addi %add3A_187, %iota3A_186 : vector<16xi32>
      %swap3A_189 = arith.constant 96 : index
      %swap3A_190 = tpu.vector_load %arg8[%swap3A_189] {strides = array<i32>} : memref<128xi32, #tpu.memory_space<vmem>>, vector<16xi32>,
      %swap3A_191 = vector.shape_cast %swap3A_190 : vector<16xi32> to vector<16xi32>
      %swap3A_192 = vector.shape_cast %add3A_188 : vector<16xi32> to vector<16xi32>
      tpu.vector_store %arg8[%swap3A_189], %swap3A_192 {strides = array<i32>} : memref<128xi32, #tpu.memory_space<vmem>>, vector<16xi32>,
      %add3A_193 = arith.constant 112 : i32
      %add3A_194 = arith.addi %mul3A_130, %add3A_193 : i32
      %iota3A_195 = tpu.iota {dimensions = array<i32: 0>} : vector<16xi32>
      %add3A_196 = vector.broadcast %add3A_194 : i32 to vector<16xi32>
      %add3A_197 = arith.addi %add3A_196, %iota3A_195 : vector<16xi32>
      %swap3A_198 = arith.constant 112 : index
      %swap3A_199 = tpu.vector_load %arg8[%swap3A_198] {strides = array<i32>} : memref<128xi32, #tpu.memory_space<vmem>>, vector<16xi32>,
      %swap3A_200 = vector.shape_cast %swap3A_199 : vector<16xi32> to vector<16xi32>
      %swap3A_201 = vector.shape_cast %add3A_197 : vector<16xi32> to vector<16xi32>
      tpu.vector_store %arg8[%swap3A_198], %swap3A_201 {strides = array<i32>} : memref<128xi32, #tpu.memory_space<vmem>>, vector<16xi32>,
      %add3A_202 = arith.addi %mul3A_2, %mul3A_130 : i32
      "tpu.region"() ({
        %run_scoped3A = tpu.sem_alloc : memref<!tpu.dma_semaphore, #tpu.memory_space<semaphore_mem>>
        %dma_start3A = arith.constant 0 : i32
        %dma_start3A_203 = tpu.memref_slice %arg4[%add3A_202, %dma_start3A] : memref<25088x128xf32, #tpu.memory_space<hbm>> -> memref<128x128xf32, #tpu.memory_space<hbm>>
        %dma_start3A_204 = arith.constant 0 : i32
        %dma_start3A_205 = tpu.memref_slice %arg4[%add3A_202, %dma_start3A_204] : memref<25088x128xf32, #tpu.memory_space<hbm>> -> memref<128x128xf32, #tpu.memory_space<hbm>>
        tpu.enqueue_dma source(%dma_start3A_205 : memref<128x128xf32, #tpu.memory_space<hbm>>) target(%arg9 : memref<128x128xf32, #tpu.memory_space<vmem>>) target_semaphore(%run_scoped3A : memref<!tpu.dma_semaphore, #tpu.memory_space<semaphore_mem>>)
        %dma_wait3A = arith.constant 0 : i32
        %dma_wait3A_206 = tpu.memref_slice %arg4[%add3A_202, %dma_wait3A] : memref<25088x128xf32, #tpu.memory_space<hbm>> -> memref<128x128xf32, #tpu.memory_space<hbm>>
        %dma_wait3A_207 = arith.constant 0 : i32
        %dma_wait3A_208 = tpu.memref_slice %arg4[%add3A_202, %dma_wait3A_207] : memref<25088x128xf32, #tpu.memory_space<hbm>> -> memref<128x128xf32, #tpu.memory_space<hbm>>
        tpu.wait_dma2 semaphore(%run_scoped3A : memref<!tpu.dma_semaphore, #tpu.memory_space<semaphore_mem>>) src(%dma_wait3A_208 : memref<128x128xf32, #tpu.memory_space<hbm>>) dst(%arg9 : memref<128x128xf32, #tpu.memory_space<vmem>>)
        tpu.yield
      }) : () -> ()
      "tpu.region"() ({
        %run_scoped3A = tpu.sem_alloc : memref<!tpu.dma_semaphore, #tpu.memory_space<semaphore_mem>>
        %dma_start3A = arith.constant 0 : i32
        %dma_start3A_203 = arith.constant 0 : i32
        %dma_start3A_204 = tpu.memref_slice %arg6[%dma_start3A, %dma_start3A_203] : memref<12552x128xf32, #tpu.memory_space<vmem_shared>> -> memref<12552x128xf32, #tpu.memory_space<vmem_shared>>
        tpu.enqueue_indirect_dma source(%arg9 : memref<128x128xf32, #tpu.memory_space<vmem>>) target(%dma_start3A_204 : memref<12552x128xf32, #tpu.memory_space<vmem_shared>>) offsets(%arg8 : memref<128xi32, #tpu.memory_space<vmem>>) semaphore(%run_scoped3A : memref<!tpu.dma_semaphore, #tpu.memory_space<semaphore_mem>>)
        %dma_wait3A = arith.constant 0 : i32
        %dma_wait3A_205 = arith.constant 0 : i32
        %dma_wait3A_206 = tpu.memref_slice %arg6[%dma_wait3A, %dma_wait3A_205] : memref<12552x128xf32, #tpu.memory_space<vmem_shared>> -> memref<12552x128xf32, #tpu.memory_space<vmem_shared>>
        tpu.wait_indirect_dma semaphore(%run_scoped3A : memref<!tpu.dma_semaphore, #tpu.memory_space<semaphore_mem>>) src(%arg9 : memref<128x128xf32, #tpu.memory_space<vmem>>) dst(%dma_wait3A_206 : memref<12552x128xf32, #tpu.memory_space<vmem_shared>>)
        tpu.yield
      }) : () -> ()
    }
    %scan3A_7 = arith.constant 7 : i32
    %barrier3A = arith.constant 0 : index
    tpu.barrier barrier_id(%barrier3A)
    %mul3A_8 = arith.constant 50000 : i32
    %mul3A_9 = arith.muli %arg1, %mul3A_8 : i32
    %scan3A_10 = arith.constant 0 : i32
    %scan3A_11 = arith.constant 0 : i32
    %scan3A_12 = arith.constant 390 : i32
    %scan3A_13 = arith.addi %scan3A_11, %scan3A_12 : i32
    %scan3A_14 = arith.constant 1 : i32
    scf.for %scan3A_124 = %scan3A_11 to %scan3A_13 step %scan3A_14  : i32 {
      %mul3A_125 = arith.constant 128 : i32
      %mul3A_126 = arith.muli %scan3A_124, %mul3A_125 : i32
      %add3A_127 = arith.addi %mul3A_9, %mul3A_126 : i32
      %dma_start3A = tpu.memref_slice %arg3[%add3A_127] : memref<800000xi32, #tpu.memory_space<hbm>> -> memref<128xi32, #tpu.memory_space<hbm>>
      %dma_start3A_128 = tpu.memref_slice %arg3[%add3A_127] : memref<800000xi32, #tpu.memory_space<hbm>> -> memref<128xi32, #tpu.memory_space<hbm>>
      tpu.enqueue_dma source(%dma_start3A_128 : memref<128xi32, #tpu.memory_space<hbm>>) target(%arg7 : memref<128xi32, #tpu.memory_space<vmem>>) target_semaphore(%arg13 : memref<!tpu.dma_semaphore, #tpu.memory_space<semaphore_mem>>)
      %dma_start3A_129 = arith.constant 0 : i32
      %dma_start3A_130 = tpu.memref_slice %arg2[%add3A_127, %dma_start3A_129] : memref<800000x128xf32, #tpu.memory_space<hbm>> -> memref<128x128xf32, #tpu.memory_space<hbm>>
      %dma_start3A_131 = arith.constant 0 : i32
      %dma_start3A_132 = tpu.memref_slice %arg2[%add3A_127, %dma_start3A_131] : memref<800000x128xf32, #tpu.memory_space<hbm>> -> memref<128x128xf32, #tpu.memory_space<hbm>>
      tpu.enqueue_dma source(%dma_start3A_132 : memref<128x128xf32, #tpu.memory_space<hbm>>) target(%arg9 : memref<128x128xf32, #tpu.memory_space<vmem>>) target_semaphore(%arg13 : memref<!tpu.dma_semaphore, #tpu.memory_space<semaphore_mem>>)
      %dma_wait3A = tpu.memref_slice %arg3[%add3A_127] : memref<800000xi32, #tpu.memory_space<hbm>> -> memref<128xi32, #tpu.memory_space<hbm>>
      %dma_wait3A_133 = tpu.memref_slice %arg3[%add3A_127] : memref<800000xi32, #tpu.memory_space<hbm>> -> memref<128xi32, #tpu.memory_space<hbm>>
      tpu.wait_dma2 semaphore(%arg13 : memref<!tpu.dma_semaphore, #tpu.memory_space<semaphore_mem>>) src(%dma_wait3A_133 : memref<128xi32, #tpu.memory_space<hbm>>) dst(%arg7 : memref<128xi32, #tpu.memory_space<vmem>>)
      %dma_wait3A_134 = arith.constant 0 : i32
      %dma_wait3A_135 = tpu.memref_slice %arg2[%add3A_127, %dma_wait3A_134] : memref<800000x128xf32, #tpu.memory_space<hbm>> -> memref<128x128xf32, #tpu.memory_space<hbm>>
      %dma_wait3A_136 = arith.constant 0 : i32
      %dma_wait3A_137 = tpu.memref_slice %arg2[%add3A_127, %dma_wait3A_136] : memref<800000x128xf32, #tpu.memory_space<hbm>> -> memref<128x128xf32, #tpu.memory_space<hbm>>
      tpu.wait_dma2 semaphore(%arg13 : memref<!tpu.dma_semaphore, #tpu.memory_space<semaphore_mem>>) src(%dma_wait3A_137 : memref<128x128xf32, #tpu.memory_space<hbm>>) dst(%arg9 : memref<128x128xf32, #tpu.memory_space<vmem>>)
      %get3A_138 = arith.constant 0 : index
      %get3A_139 = tpu.vector_load %arg7[%get3A_138] {strides = array<i32>} : memref<128xi32, #tpu.memory_space<vmem>>, vector<16xi32>,
      %get3A_140 = vector.shape_cast %get3A_139 : vector<16xi32> to vector<16xi32>
      %sub3A_141 = vector.broadcast %mul3A_0 : i32 to vector<16xi32>
      %sub3A_142 = arith.subi %get3A_140, %sub3A_141 : vector<16xi32>
      %ge3A_143 = arith.constant 0 : i32
      %ge3A_144 = vector.broadcast %ge3A_143 : i32 to vector<16xi32>
      %ge3A_145 = arith.cmpi sge, %sub3A_142, %ge3A_144 : vector<16xi32>
      %lt3A_146 = arith.constant 25088 : i32
      %lt3A_147 = vector.broadcast %lt3A_146 : i32 to vector<16xi32>
      %lt3A_148 = arith.cmpi slt, %sub3A_142, %lt3A_147 : vector<16xi32>
      %and3A_149 = arith.andi %ge3A_145, %lt3A_148 : vector<16xi1>
      %shift_right_arithmetic3A_150 = arith.constant 1 : i32
      %shift_right_arithmetic3A_151 = vector.broadcast %shift_right_arithmetic3A_150 : i32 to vector<16xi32>
      %shift_right_arithmetic3A_152 = arith.shrsi %sub3A_142, %shift_right_arithmetic3A_151 : vector<16xi32>
      %jit3A_153 = arith.constant 12544 : i32
      %broadcast_in_dim3A_154 = vector.broadcast %jit3A_153 : i32 to vector<16xi32>
      %select_n3A_155 = arith.select %and3A_149, %shift_right_arithmetic3A_152, %broadcast_in_dim3A_154 : vector<16xi1>, vector<16xi32>
      %swap3A_156 = arith.constant 0 : index
      %swap3A_157 = tpu.vector_load %arg8[%swap3A_156] {strides = array<i32>} : memref<128xi32, #tpu.memory_space<vmem>>, vector<16xi32>,
      %swap3A_158 = vector.shape_cast %swap3A_157 : vector<16xi32> to vector<16xi32>
      %swap3A_159 = vector.shape_cast %select_n3A_155 : vector<16xi32> to vector<16xi32>
      tpu.vector_store %arg8[%swap3A_156], %swap3A_159 {strides = array<i32>} : memref<128xi32, #tpu.memory_space<vmem>>, vector<16xi32>,
      %get3A_160 = arith.constant 16 : index
      %get3A_161 = tpu.vector_load %arg7[%get3A_160] {strides = array<i32>} : memref<128xi32, #tpu.memory_space<vmem>>, vector<16xi32>,
      %get3A_162 = vector.shape_cast %get3A_161 : vector<16xi32> to vector<16xi32>
      %sub3A_163 = vector.broadcast %mul3A_0 : i32 to vector<16xi32>
      %sub3A_164 = arith.subi %get3A_162, %sub3A_163 : vector<16xi32>
      %ge3A_165 = arith.constant 0 : i32
      %ge3A_166 = vector.broadcast %ge3A_165 : i32 to vector<16xi32>
      %ge3A_167 = arith.cmpi sge, %sub3A_164, %ge3A_166 : vector<16xi32>
      %lt3A_168 = arith.constant 25088 : i32
      %lt3A_169 = vector.broadcast %lt3A_168 : i32 to vector<16xi32>
      %lt3A_170 = arith.cmpi slt, %sub3A_164, %lt3A_169 : vector<16xi32>
      %and3A_171 = arith.andi %ge3A_167, %lt3A_170 : vector<16xi1>
      %shift_right_arithmetic3A_172 = arith.constant 1 : i32
      %shift_right_arithmetic3A_173 = vector.broadcast %shift_right_arithmetic3A_172 : i32 to vector<16xi32>
      %shift_right_arithmetic3A_174 = arith.shrsi %sub3A_164, %shift_right_arithmetic3A_173 : vector<16xi32>
      %jit3A_175 = arith.constant 12544 : i32
      %broadcast_in_dim3A_176 = vector.broadcast %jit3A_175 : i32 to vector<16xi32>
      %select_n3A_177 = arith.select %and3A_171, %shift_right_arithmetic3A_174, %broadcast_in_dim3A_176 : vector<16xi1>, vector<16xi32>
      %swap3A_178 = arith.constant 16 : index
      %swap3A_179 = tpu.vector_load %arg8[%swap3A_178] {strides = array<i32>} : memref<128xi32, #tpu.memory_space<vmem>>, vector<16xi32>,
      %swap3A_180 = vector.shape_cast %swap3A_179 : vector<16xi32> to vector<16xi32>
      %swap3A_181 = vector.shape_cast %select_n3A_177 : vector<16xi32> to vector<16xi32>
      tpu.vector_store %arg8[%swap3A_178], %swap3A_181 {strides = array<i32>} : memref<128xi32, #tpu.memory_space<vmem>>, vector<16xi32>,
      %get3A_182 = arith.constant 32 : index
      %get3A_183 = tpu.vector_load %arg7[%get3A_182] {strides = array<i32>} : memref<128xi32, #tpu.memory_space<vmem>>, vector<16xi32>,
      %get3A_184 = vector.shape_cast %get3A_183 : vector<16xi32> to vector<16xi32>
      %sub3A_185 = vector.broadcast %mul3A_0 : i32 to vector<16xi32>
      %sub3A_186 = arith.subi %get3A_184, %sub3A_185 : vector<16xi32>
      %ge3A_187 = arith.constant 0 : i32
      %ge3A_188 = vector.broadcast %ge3A_187 : i32 to vector<16xi32>
      %ge3A_189 = arith.cmpi sge, %sub3A_186, %ge3A_188 : vector<16xi32>
      %lt3A_190 = arith.constant 25088 : i32
      %lt3A_191 = vector.broadcast %lt3A_190 : i32 to vector<16xi32>
      %lt3A_192 = arith.cmpi slt, %sub3A_186, %lt3A_191 : vector<16xi32>
      %and3A_193 = arith.andi %ge3A_189, %lt3A_192 : vector<16xi1>
      %shift_right_arithmetic3A_194 = arith.constant 1 : i32
      %shift_right_arithmetic3A_195 = vector.broadcast %shift_right_arithmetic3A_194 : i32 to vector<16xi32>
      %shift_right_arithmetic3A_196 = arith.shrsi %sub3A_186, %shift_right_arithmetic3A_195 : vector<16xi32>
      %jit3A_197 = arith.constant 12544 : i32
      %broadcast_in_dim3A_198 = vector.broadcast %jit3A_197 : i32 to vector<16xi32>
      %select_n3A_199 = arith.select %and3A_193, %shift_right_arithmetic3A_196, %broadcast_in_dim3A_198 : vector<16xi1>, vector<16xi32>
      %swap3A_200 = arith.constant 32 : index
      %swap3A_201 = tpu.vector_load %arg8[%swap3A_200] {strides = array<i32>} : memref<128xi32, #tpu.memory_space<vmem>>, vector<16xi32>,
      %swap3A_202 = vector.shape_cast %swap3A_201 : vector<16xi32> to vector<16xi32>
      %swap3A_203 = vector.shape_cast %select_n3A_199 : vector<16xi32> to vector<16xi32>
      tpu.vector_store %arg8[%swap3A_200], %swap3A_203 {strides = array<i32>} : memref<128xi32, #tpu.memory_space<vmem>>, vector<16xi32>,
      %get3A_204 = arith.constant 48 : index
      %get3A_205 = tpu.vector_load %arg7[%get3A_204] {strides = array<i32>} : memref<128xi32, #tpu.memory_space<vmem>>, vector<16xi32>,
      %get3A_206 = vector.shape_cast %get3A_205 : vector<16xi32> to vector<16xi32>
      %sub3A_207 = vector.broadcast %mul3A_0 : i32 to vector<16xi32>
      %sub3A_208 = arith.subi %get3A_206, %sub3A_207 : vector<16xi32>
      %ge3A_209 = arith.constant 0 : i32
      %ge3A_210 = vector.broadcast %ge3A_209 : i32 to vector<16xi32>
      %ge3A_211 = arith.cmpi sge, %sub3A_208, %ge3A_210 : vector<16xi32>
      %lt3A_212 = arith.constant 25088 : i32
      %lt3A_213 = vector.broadcast %lt3A_212 : i32 to vector<16xi32>
      %lt3A_214 = arith.cmpi slt, %sub3A_208, %lt3A_213 : vector<16xi32>
      %and3A_215 = arith.andi %ge3A_211, %lt3A_214 : vector<16xi1>
      %shift_right_arithmetic3A_216 = arith.constant 1 : i32
      %shift_right_arithmetic3A_217 = vector.broadcast %shift_right_arithmetic3A_216 : i32 to vector<16xi32>
      %shift_right_arithmetic3A_218 = arith.shrsi %sub3A_208, %shift_right_arithmetic3A_217 : vector<16xi32>
      %jit3A_219 = arith.constant 12544 : i32
      %broadcast_in_dim3A_220 = vector.broadcast %jit3A_219 : i32 to vector<16xi32>
      %select_n3A_221 = arith.select %and3A_215, %shift_right_arithmetic3A_218, %broadcast_in_dim3A_220 : vector<16xi1>, vector<16xi32>
      %swap3A_222 = arith.constant 48 : index
      %swap3A_223 = tpu.vector_load %arg8[%swap3A_222] {strides = array<i32>} : memref<128xi32, #tpu.memory_space<vmem>>, vector<16xi32>,
      %swap3A_224 = vector.shape_cast %swap3A_223 : vector<16xi32> to vector<16xi32>
      %swap3A_225 = vector.shape_cast %select_n3A_221 : vector<16xi32> to vector<16xi32>
      tpu.vector_store %arg8[%swap3A_222], %swap3A_225 {strides = array<i32>} : memref<128xi32, #tpu.memory_space<vmem>>, vector<16xi32>,
      %get3A_226 = arith.constant 64 : index
      %get3A_227 = tpu.vector_load %arg7[%get3A_226] {strides = array<i32>} : memref<128xi32, #tpu.memory_space<vmem>>, vector<16xi32>,
      %get3A_228 = vector.shape_cast %get3A_227 : vector<16xi32> to vector<16xi32>
      %sub3A_229 = vector.broadcast %mul3A_0 : i32 to vector<16xi32>
      %sub3A_230 = arith.subi %get3A_228, %sub3A_229 : vector<16xi32>
      %ge3A_231 = arith.constant 0 : i32
      %ge3A_232 = vector.broadcast %ge3A_231 : i32 to vector<16xi32>
      %ge3A_233 = arith.cmpi sge, %sub3A_230, %ge3A_232 : vector<16xi32>
      %lt3A_234 = arith.constant 25088 : i32
      %lt3A_235 = vector.broadcast %lt3A_234 : i32 to vector<16xi32>
      %lt3A_236 = arith.cmpi slt, %sub3A_230, %lt3A_235 : vector<16xi32>
      %and3A_237 = arith.andi %ge3A_233, %lt3A_236 : vector<16xi1>
      %shift_right_arithmetic3A_238 = arith.constant 1 : i32
      %shift_right_arithmetic3A_239 = vector.broadcast %shift_right_arithmetic3A_238 : i32 to vector<16xi32>
      %shift_right_arithmetic3A_240 = arith.shrsi %sub3A_230, %shift_right_arithmetic3A_239 : vector<16xi32>
      %jit3A_241 = arith.constant 12544 : i32
      %broadcast_in_dim3A_242 = vector.broadcast %jit3A_241 : i32 to vector<16xi32>
      %select_n3A_243 = arith.select %and3A_237, %shift_right_arithmetic3A_240, %broadcast_in_dim3A_242 : vector<16xi1>, vector<16xi32>
      %swap3A_244 = arith.constant 64 : index
      %swap3A_245 = tpu.vector_load %arg8[%swap3A_244] {strides = array<i32>} : memref<128xi32, #tpu.memory_space<vmem>>, vector<16xi32>,
      %swap3A_246 = vector.shape_cast %swap3A_245 : vector<16xi32> to vector<16xi32>
      %swap3A_247 = vector.shape_cast %select_n3A_243 : vector<16xi32> to vector<16xi32>
      tpu.vector_store %arg8[%swap3A_244], %swap3A_247 {strides = array<i32>} : memref<128xi32, #tpu.memory_space<vmem>>, vector<16xi32>,
      %get3A_248 = arith.constant 80 : index
      %get3A_249 = tpu.vector_load %arg7[%get3A_248] {strides = array<i32>} : memref<128xi32, #tpu.memory_space<vmem>>, vector<16xi32>,
      %get3A_250 = vector.shape_cast %get3A_249 : vector<16xi32> to vector<16xi32>
      %sub3A_251 = vector.broadcast %mul3A_0 : i32 to vector<16xi32>
      %sub3A_252 = arith.subi %get3A_250, %sub3A_251 : vector<16xi32>
      %ge3A_253 = arith.constant 0 : i32
      %ge3A_254 = vector.broadcast %ge3A_253 : i32 to vector<16xi32>
      %ge3A_255 = arith.cmpi sge, %sub3A_252, %ge3A_254 : vector<16xi32>
      %lt3A_256 = arith.constant 25088 : i32
      %lt3A_257 = vector.broadcast %lt3A_256 : i32 to vector<16xi32>
      %lt3A_258 = arith.cmpi slt, %sub3A_252, %lt3A_257 : vector<16xi32>
      %and3A_259 = arith.andi %ge3A_255, %lt3A_258 : vector<16xi1>
      %shift_right_arithmetic3A_260 = arith.constant 1 : i32
      %shift_right_arithmetic3A_261 = vector.broadcast %shift_right_arithmetic3A_260 : i32 to vector<16xi32>
      %shift_right_arithmetic3A_262 = arith.shrsi %sub3A_252, %shift_right_arithmetic3A_261 : vector<16xi32>
      %jit3A_263 = arith.constant 12544 : i32
      %broadcast_in_dim3A_264 = vector.broadcast %jit3A_263 : i32 to vector<16xi32>
      %select_n3A_265 = arith.select %and3A_259, %shift_right_arithmetic3A_262, %broadcast_in_dim3A_264 : vector<16xi1>, vector<16xi32>
      %swap3A_266 = arith.constant 80 : index
      %swap3A_267 = tpu.vector_load %arg8[%swap3A_266] {strides = array<i32>} : memref<128xi32, #tpu.memory_space<vmem>>, vector<16xi32>,
      %swap3A_268 = vector.shape_cast %swap3A_267 : vector<16xi32> to vector<16xi32>
      %swap3A_269 = vector.shape_cast %select_n3A_265 : vector<16xi32> to vector<16xi32>
      tpu.vector_store %arg8[%swap3A_266], %swap3A_269 {strides = array<i32>} : memref<128xi32, #tpu.memory_space<vmem>>, vector<16xi32>,
      %get3A_270 = arith.constant 96 : index
      %get3A_271 = tpu.vector_load %arg7[%get3A_270] {strides = array<i32>} : memref<128xi32, #tpu.memory_space<vmem>>, vector<16xi32>,
      %get3A_272 = vector.shape_cast %get3A_271 : vector<16xi32> to vector<16xi32>
      %sub3A_273 = vector.broadcast %mul3A_0 : i32 to vector<16xi32>
      %sub3A_274 = arith.subi %get3A_272, %sub3A_273 : vector<16xi32>
      %ge3A_275 = arith.constant 0 : i32
      %ge3A_276 = vector.broadcast %ge3A_275 : i32 to vector<16xi32>
      %ge3A_277 = arith.cmpi sge, %sub3A_274, %ge3A_276 : vector<16xi32>
      %lt3A_278 = arith.constant 25088 : i32
      %lt3A_279 = vector.broadcast %lt3A_278 : i32 to vector<16xi32>
      %lt3A_280 = arith.cmpi slt, %sub3A_274, %lt3A_279 : vector<16xi32>
      %and3A_281 = arith.andi %ge3A_277, %lt3A_280 : vector<16xi1>
      %shift_right_arithmetic3A_282 = arith.constant 1 : i32
      %shift_right_arithmetic3A_283 = vector.broadcast %shift_right_arithmetic3A_282 : i32 to vector<16xi32>
      %shift_right_arithmetic3A_284 = arith.shrsi %sub3A_274, %shift_right_arithmetic3A_283 : vector<16xi32>
      %jit3A_285 = arith.constant 12544 : i32
      %broadcast_in_dim3A_286 = vector.broadcast %jit3A_285 : i32 to vector<16xi32>
      %select_n3A_287 = arith.select %and3A_281, %shift_right_arithmetic3A_284, %broadcast_in_dim3A_286 : vector<16xi1>, vector<16xi32>
      %swap3A_288 = arith.constant 96 : index
      %swap3A_289 = tpu.vector_load %arg8[%swap3A_288] {strides = array<i32>} : memref<128xi32, #tpu.memory_space<vmem>>, vector<16xi32>,
      %swap3A_290 = vector.shape_cast %swap3A_289 : vector<16xi32> to vector<16xi32>
      %swap3A_291 = vector.shape_cast %select_n3A_287 : vector<16xi32> to vector<16xi32>
      tpu.vector_store %arg8[%swap3A_288], %swap3A_291 {strides = array<i32>} : memref<128xi32, #tpu.memory_space<vmem>>, vector<16xi32>,
      %get3A_292 = arith.constant 112 : index
      %get3A_293 = tpu.vector_load %arg7[%get3A_292] {strides = array<i32>} : memref<128xi32, #tpu.memory_space<vmem>>, vector<16xi32>,
      %get3A_294 = vector.shape_cast %get3A_293 : vector<16xi32> to vector<16xi32>
      %sub3A_295 = vector.broadcast %mul3A_0 : i32 to vector<16xi32>
      %sub3A_296 = arith.subi %get3A_294, %sub3A_295 : vector<16xi32>
      %ge3A_297 = arith.constant 0 : i32
      %ge3A_298 = vector.broadcast %ge3A_297 : i32 to vector<16xi32>
      %ge3A_299 = arith.cmpi sge, %sub3A_296, %ge3A_298 : vector<16xi32>
      %lt3A_300 = arith.constant 25088 : i32
      %lt3A_301 = vector.broadcast %lt3A_300 : i32 to vector<16xi32>
      %lt3A_302 = arith.cmpi slt, %sub3A_296, %lt3A_301 : vector<16xi32>
      %and3A_303 = arith.andi %ge3A_299, %lt3A_302 : vector<16xi1>
      %shift_right_arithmetic3A_304 = arith.constant 1 : i32
      %shift_right_arithmetic3A_305 = vector.broadcast %shift_right_arithmetic3A_304 : i32 to vector<16xi32>
      %shift_right_arithmetic3A_306 = arith.shrsi %sub3A_296, %shift_right_arithmetic3A_305 : vector<16xi32>
      %jit3A_307 = arith.constant 12544 : i32
      %broadcast_in_dim3A_308 = vector.broadcast %jit3A_307 : i32 to vector<16xi32>
      %select_n3A_309 = arith.select %and3A_303, %shift_right_arithmetic3A_306, %broadcast_in_dim3A_308 : vector<16xi1>, vector<16xi32>
      %swap3A_310 = arith.constant 112 : index
      %swap3A_311 = tpu.vector_load %arg8[%swap3A_310] {strides = array<i32>} : memref<128xi32, #tpu.memory_space<vmem>>, vector<16xi32>,
      %swap3A_312 = vector.shape_cast %swap3A_311 : vector<16xi32> to vector<16xi32>
      %swap3A_313 = vector.shape_cast %select_n3A_309 : vector<16xi32> to vector<16xi32>
      tpu.vector_store %arg8[%swap3A_310], %swap3A_313 {strides = array<i32>} : memref<128xi32, #tpu.memory_space<vmem>>, vector<16xi32>,
      "tpu.region"() ({
        %run_scoped3A = tpu.sem_alloc : memref<!tpu.dma_semaphore, #tpu.memory_space<semaphore_mem>>
        %dma_start3A_314 = arith.constant 0 : i32
        %dma_start3A_315 = arith.constant 0 : i32
        %dma_start3A_316 = tpu.memref_slice %arg6[%dma_start3A_314, %dma_start3A_315] : memref<12552x128xf32, #tpu.memory_space<vmem_shared>> -> memref<12552x128xf32, #tpu.memory_space<vmem_shared>>
        tpu.enqueue_indirect_dma source(%arg9 : memref<128x128xf32, #tpu.memory_space<vmem>>) target(%dma_start3A_316 : memref<12552x128xf32, #tpu.memory_space<vmem_shared>>) offsets(%arg8 : memref<128xi32, #tpu.memory_space<vmem>>) semaphore(%run_scoped3A : memref<!tpu.dma_semaphore, #tpu.memory_space<semaphore_mem>>) {add = true}
        %dma_wait3A_317 = arith.constant 0 : i32
        %dma_wait3A_318 = arith.constant 0 : i32
        %dma_wait3A_319 = tpu.memref_slice %arg6[%dma_wait3A_317, %dma_wait3A_318] : memref<12552x128xf32, #tpu.memory_space<vmem_shared>> -> memref<12552x128xf32, #tpu.memory_space<vmem_shared>>
        tpu.wait_indirect_dma semaphore(%run_scoped3A : memref<!tpu.dma_semaphore, #tpu.memory_space<semaphore_mem>>) src(%arg9 : memref<128x128xf32, #tpu.memory_space<vmem>>) dst(%dma_wait3A_319 : memref<12552x128xf32, #tpu.memory_space<vmem_shared>>)
        tpu.yield
      }) : () -> ()
    }
    %scan3A_15 = arith.constant 390 : i32
    %add3A = arith.constant 49920 : i32
    %add3A_16 = arith.addi %mul3A_9, %add3A : i32
    "tpu.region"() ({
      %run_scoped3A = tpu.sem_alloc : memref<!tpu.dma_semaphore, #tpu.memory_space<semaphore_mem>>
      %dma_start3A = tpu.memref_slice %arg3[%add3A_16] : memref<800000xi32, #tpu.memory_space<hbm>> -> memref<80xi32, #tpu.memory_space<hbm>>
      %dma_start3A_124 = tpu.memref_slice %arg3[%add3A_16] : memref<800000xi32, #tpu.memory_space<hbm>> -> memref<80xi32, #tpu.memory_space<hbm>>
      tpu.enqueue_dma source(%dma_start3A_124 : memref<80xi32, #tpu.memory_space<hbm>>) target(%arg10 : memref<80xi32, #tpu.memory_space<vmem>>) target_semaphore(%run_scoped3A : memref<!tpu.dma_semaphore, #tpu.memory_space<semaphore_mem>>)
      %dma_wait3A = tpu.memref_slice %arg3[%add3A_16] : memref<800000xi32, #tpu.memory_space<hbm>> -> memref<80xi32, #tpu.memory_space<hbm>>
      %dma_wait3A_125 = tpu.memref_slice %arg3[%add3A_16] : memref<800000xi32, #tpu.memory_space<hbm>> -> memref<80xi32, #tpu.memory_space<hbm>>
      tpu.wait_dma2 semaphore(%run_scoped3A : memref<!tpu.dma_semaphore, #tpu.memory_space<semaphore_mem>>) src(%dma_wait3A_125 : memref<80xi32, #tpu.memory_space<hbm>>) dst(%arg10 : memref<80xi32, #tpu.memory_space<vmem>>)
      tpu.yield
    }) : () -> ()
    "tpu.region"() ({
      %run_scoped3A = tpu.sem_alloc : memref<!tpu.dma_semaphore, #tpu.memory_space<semaphore_mem>>
      %dma_start3A = arith.constant 0 : i32
      %dma_start3A_124 = tpu.memref_slice %arg2[%add3A_16, %dma_start3A] : memref<800000x128xf32, #tpu.memory_space<hbm>> -> memref<80x128xf32, #tpu.memory_space<hbm>>
      %dma_start3A_125 = arith.constant 0 : i32
      %dma_start3A_126 = tpu.memref_slice %arg2[%add3A_16, %dma_start3A_125] : memref<800000x128xf32, #tpu.memory_space<hbm>> -> memref<80x128xf32, #tpu.memory_space<hbm>>
      tpu.enqueue_dma source(%dma_start3A_126 : memref<80x128xf32, #tpu.memory_space<hbm>>) target(%arg12 : memref<80x128xf32, #tpu.memory_space<vmem>>) target_semaphore(%run_scoped3A : memref<!tpu.dma_semaphore, #tpu.memory_space<semaphore_mem>>)
      %dma_wait3A = arith.constant 0 : i32
      %dma_wait3A_127 = tpu.memref_slice %arg2[%add3A_16, %dma_wait3A] : memref<800000x128xf32, #tpu.memory_space<hbm>> -> memref<80x128xf32, #tpu.memory_space<hbm>>
      %dma_wait3A_128 = arith.constant 0 : i32
      %dma_wait3A_129 = tpu.memref_slice %arg2[%add3A_16, %dma_wait3A_128] : memref<800000x128xf32, #tpu.memory_space<hbm>> -> memref<80x128xf32, #tpu.memory_space<hbm>>
      tpu.wait_dma2 semaphore(%run_scoped3A : memref<!tpu.dma_semaphore, #tpu.memory_space<semaphore_mem>>) src(%dma_wait3A_129 : memref<80x128xf32, #tpu.memory_space<hbm>>) dst(%arg12 : memref<80x128xf32, #tpu.memory_space<vmem>>)
      tpu.yield
    }) : () -> ()
    %get3A = arith.constant 0 : index
    %get3A_17 = tpu.vector_load %arg10[%get3A] {strides = array<i32>} : memref<80xi32, #tpu.memory_space<vmem>>, vector<16xi32>,
    %get3A_18 = vector.shape_cast %get3A_17 : vector<16xi32> to vector<16xi32>
    %sub3A = vector.broadcast %mul3A_0 : i32 to vector<16xi32>
    %sub3A_19 = arith.subi %get3A_18, %sub3A : vector<16xi32>
    %ge3A = arith.constant 0 : i32
    %ge3A_20 = vector.broadcast %ge3A : i32 to vector<16xi32>
    %ge3A_21 = arith.cmpi sge, %sub3A_19, %ge3A_20 : vector<16xi32>
    %lt3A = arith.constant 25088 : i32
    %lt3A_22 = vector.broadcast %lt3A : i32 to vector<16xi32>
    %lt3A_23 = arith.cmpi slt, %sub3A_19, %lt3A_22 : vector<16xi32>
    %and3A = arith.andi %ge3A_21, %lt3A_23 : vector<16xi1>
    %shift_right_arithmetic3A = arith.constant 1 : i32
    %shift_right_arithmetic3A_24 = vector.broadcast %shift_right_arithmetic3A : i32 to vector<16xi32>
    %shift_right_arithmetic3A_25 = arith.shrsi %sub3A_19, %shift_right_arithmetic3A_24 : vector<16xi32>
    %jit3A = arith.constant 12544 : i32
    %broadcast_in_dim3A = vector.broadcast %jit3A : i32 to vector<16xi32>
    %select_n3A = arith.select %and3A, %shift_right_arithmetic3A_25, %broadcast_in_dim3A : vector<16xi1>, vector<16xi32>
    %swap3A = arith.constant 0 : index
    %swap3A_26 = tpu.vector_load %arg11[%swap3A] {strides = array<i32>} : memref<80xi32, #tpu.memory_space<vmem>>, vector<16xi32>,
    %swap3A_27 = vector.shape_cast %swap3A_26 : vector<16xi32> to vector<16xi32>
    %swap3A_28 = vector.shape_cast %select_n3A : vector<16xi32> to vector<16xi32>
    tpu.vector_store %arg11[%swap3A], %swap3A_28 {strides = array<i32>} : memref<80xi32, #tpu.memory_space<vmem>>, vector<16xi32>,
    %get3A_29 = arith.constant 16 : index
    %get3A_30 = tpu.vector_load %arg10[%get3A_29] {strides = array<i32>} : memref<80xi32, #tpu.memory_space<vmem>>, vector<16xi32>,
    %get3A_31 = vector.shape_cast %get3A_30 : vector<16xi32> to vector<16xi32>
    %sub3A_32 = vector.broadcast %mul3A_0 : i32 to vector<16xi32>
    %sub3A_33 = arith.subi %get3A_31, %sub3A_32 : vector<16xi32>
    %ge3A_34 = arith.constant 0 : i32
    %ge3A_35 = vector.broadcast %ge3A_34 : i32 to vector<16xi32>
    %ge3A_36 = arith.cmpi sge, %sub3A_33, %ge3A_35 : vector<16xi32>
    %lt3A_37 = arith.constant 25088 : i32
    %lt3A_38 = vector.broadcast %lt3A_37 : i32 to vector<16xi32>
    %lt3A_39 = arith.cmpi slt, %sub3A_33, %lt3A_38 : vector<16xi32>
    %and3A_40 = arith.andi %ge3A_36, %lt3A_39 : vector<16xi1>
    %shift_right_arithmetic3A_41 = arith.constant 1 : i32
    %shift_right_arithmetic3A_42 = vector.broadcast %shift_right_arithmetic3A_41 : i32 to vector<16xi32>
    %shift_right_arithmetic3A_43 = arith.shrsi %sub3A_33, %shift_right_arithmetic3A_42 : vector<16xi32>
    %jit3A_44 = arith.constant 12544 : i32
    %broadcast_in_dim3A_45 = vector.broadcast %jit3A_44 : i32 to vector<16xi32>
    %select_n3A_46 = arith.select %and3A_40, %shift_right_arithmetic3A_43, %broadcast_in_dim3A_45 : vector<16xi1>, vector<16xi32>
    %swap3A_47 = arith.constant 16 : index
    %swap3A_48 = tpu.vector_load %arg11[%swap3A_47] {strides = array<i32>} : memref<80xi32, #tpu.memory_space<vmem>>, vector<16xi32>,
    %swap3A_49 = vector.shape_cast %swap3A_48 : vector<16xi32> to vector<16xi32>
    %swap3A_50 = vector.shape_cast %select_n3A_46 : vector<16xi32> to vector<16xi32>
    tpu.vector_store %arg11[%swap3A_47], %swap3A_50 {strides = array<i32>} : memref<80xi32, #tpu.memory_space<vmem>>, vector<16xi32>,
    %get3A_51 = arith.constant 32 : index
    %get3A_52 = tpu.vector_load %arg10[%get3A_51] {strides = array<i32>} : memref<80xi32, #tpu.memory_space<vmem>>, vector<16xi32>,
    %get3A_53 = vector.shape_cast %get3A_52 : vector<16xi32> to vector<16xi32>
    %sub3A_54 = vector.broadcast %mul3A_0 : i32 to vector<16xi32>
    %sub3A_55 = arith.subi %get3A_53, %sub3A_54 : vector<16xi32>
    %ge3A_56 = arith.constant 0 : i32
    %ge3A_57 = vector.broadcast %ge3A_56 : i32 to vector<16xi32>
    %ge3A_58 = arith.cmpi sge, %sub3A_55, %ge3A_57 : vector<16xi32>
    %lt3A_59 = arith.constant 25088 : i32
    %lt3A_60 = vector.broadcast %lt3A_59 : i32 to vector<16xi32>
    %lt3A_61 = arith.cmpi slt, %sub3A_55, %lt3A_60 : vector<16xi32>
    %and3A_62 = arith.andi %ge3A_58, %lt3A_61 : vector<16xi1>
    %shift_right_arithmetic3A_63 = arith.constant 1 : i32
    %shift_right_arithmetic3A_64 = vector.broadcast %shift_right_arithmetic3A_63 : i32 to vector<16xi32>
    %shift_right_arithmetic3A_65 = arith.shrsi %sub3A_55, %shift_right_arithmetic3A_64 : vector<16xi32>
    %jit3A_66 = arith.constant 12544 : i32
    %broadcast_in_dim3A_67 = vector.broadcast %jit3A_66 : i32 to vector<16xi32>
    %select_n3A_68 = arith.select %and3A_62, %shift_right_arithmetic3A_65, %broadcast_in_dim3A_67 : vector<16xi1>, vector<16xi32>
    %swap3A_69 = arith.constant 32 : index
    %swap3A_70 = tpu.vector_load %arg11[%swap3A_69] {strides = array<i32>} : memref<80xi32, #tpu.memory_space<vmem>>, vector<16xi32>,
    %swap3A_71 = vector.shape_cast %swap3A_70 : vector<16xi32> to vector<16xi32>
    %swap3A_72 = vector.shape_cast %select_n3A_68 : vector<16xi32> to vector<16xi32>
    tpu.vector_store %arg11[%swap3A_69], %swap3A_72 {strides = array<i32>} : memref<80xi32, #tpu.memory_space<vmem>>, vector<16xi32>,
    %get3A_73 = arith.constant 48 : index
    %get3A_74 = tpu.vector_load %arg10[%get3A_73] {strides = array<i32>} : memref<80xi32, #tpu.memory_space<vmem>>, vector<16xi32>,
    %get3A_75 = vector.shape_cast %get3A_74 : vector<16xi32> to vector<16xi32>
    %sub3A_76 = vector.broadcast %mul3A_0 : i32 to vector<16xi32>
    %sub3A_77 = arith.subi %get3A_75, %sub3A_76 : vector<16xi32>
    %ge3A_78 = arith.constant 0 : i32
    %ge3A_79 = vector.broadcast %ge3A_78 : i32 to vector<16xi32>
    %ge3A_80 = arith.cmpi sge, %sub3A_77, %ge3A_79 : vector<16xi32>
    %lt3A_81 = arith.constant 25088 : i32
    %lt3A_82 = vector.broadcast %lt3A_81 : i32 to vector<16xi32>
    %lt3A_83 = arith.cmpi slt, %sub3A_77, %lt3A_82 : vector<16xi32>
    %and3A_84 = arith.andi %ge3A_80, %lt3A_83 : vector<16xi1>
    %shift_right_arithmetic3A_85 = arith.constant 1 : i32
    %shift_right_arithmetic3A_86 = vector.broadcast %shift_right_arithmetic3A_85 : i32 to vector<16xi32>
    %shift_right_arithmetic3A_87 = arith.shrsi %sub3A_77, %shift_right_arithmetic3A_86 : vector<16xi32>
    %jit3A_88 = arith.constant 12544 : i32
    %broadcast_in_dim3A_89 = vector.broadcast %jit3A_88 : i32 to vector<16xi32>
    %select_n3A_90 = arith.select %and3A_84, %shift_right_arithmetic3A_87, %broadcast_in_dim3A_89 : vector<16xi1>, vector<16xi32>
    %swap3A_91 = arith.constant 48 : index
    %swap3A_92 = tpu.vector_load %arg11[%swap3A_91] {strides = array<i32>} : memref<80xi32, #tpu.memory_space<vmem>>, vector<16xi32>,
    %swap3A_93 = vector.shape_cast %swap3A_92 : vector<16xi32> to vector<16xi32>
    %swap3A_94 = vector.shape_cast %select_n3A_90 : vector<16xi32> to vector<16xi32>
    tpu.vector_store %arg11[%swap3A_91], %swap3A_94 {strides = array<i32>} : memref<80xi32, #tpu.memory_space<vmem>>, vector<16xi32>,
    %get3A_95 = arith.constant 64 : index
    %get3A_96 = tpu.vector_load %arg10[%get3A_95] {strides = array<i32>} : memref<80xi32, #tpu.memory_space<vmem>>, vector<16xi32>,
    %get3A_97 = vector.shape_cast %get3A_96 : vector<16xi32> to vector<16xi32>
    %sub3A_98 = vector.broadcast %mul3A_0 : i32 to vector<16xi32>
    %sub3A_99 = arith.subi %get3A_97, %sub3A_98 : vector<16xi32>
    %ge3A_100 = arith.constant 0 : i32
    %ge3A_101 = vector.broadcast %ge3A_100 : i32 to vector<16xi32>
    %ge3A_102 = arith.cmpi sge, %sub3A_99, %ge3A_101 : vector<16xi32>
    %lt3A_103 = arith.constant 25088 : i32
    %lt3A_104 = vector.broadcast %lt3A_103 : i32 to vector<16xi32>
    %lt3A_105 = arith.cmpi slt, %sub3A_99, %lt3A_104 : vector<16xi32>
    %and3A_106 = arith.andi %ge3A_102, %lt3A_105 : vector<16xi1>
    %shift_right_arithmetic3A_107 = arith.constant 1 : i32
    %shift_right_arithmetic3A_108 = vector.broadcast %shift_right_arithmetic3A_107 : i32 to vector<16xi32>
    %shift_right_arithmetic3A_109 = arith.shrsi %sub3A_99, %shift_right_arithmetic3A_108 : vector<16xi32>
    %jit3A_110 = arith.constant 12544 : i32
    %broadcast_in_dim3A_111 = vector.broadcast %jit3A_110 : i32 to vector<16xi32>
    %select_n3A_112 = arith.select %and3A_106, %shift_right_arithmetic3A_109, %broadcast_in_dim3A_111 : vector<16xi1>, vector<16xi32>
    %swap3A_113 = arith.constant 64 : index
    %swap3A_114 = tpu.vector_load %arg11[%swap3A_113] {strides = array<i32>} : memref<80xi32, #tpu.memory_space<vmem>>, vector<16xi32>,
    %swap3A_115 = vector.shape_cast %swap3A_114 : vector<16xi32> to vector<16xi32>
    %swap3A_116 = vector.shape_cast %select_n3A_112 : vector<16xi32> to vector<16xi32>
    tpu.vector_store %arg11[%swap3A_113], %swap3A_116 {strides = array<i32>} : memref<80xi32, #tpu.memory_space<vmem>>, vector<16xi32>,
    "tpu.region"() ({
      %run_scoped3A = tpu.sem_alloc : memref<!tpu.dma_semaphore, #tpu.memory_space<semaphore_mem>>
      %dma_start3A = arith.constant 0 : i32
      %dma_start3A_124 = arith.constant 0 : i32
      %dma_start3A_125 = tpu.memref_slice %arg6[%dma_start3A, %dma_start3A_124] : memref<12552x128xf32, #tpu.memory_space<vmem_shared>> -> memref<12552x128xf32, #tpu.memory_space<vmem_shared>>
      tpu.enqueue_indirect_dma source(%arg12 : memref<80x128xf32, #tpu.memory_space<vmem>>) target(%dma_start3A_125 : memref<12552x128xf32, #tpu.memory_space<vmem_shared>>) offsets(%arg11 : memref<80xi32, #tpu.memory_space<vmem>>) semaphore(%run_scoped3A : memref<!tpu.dma_semaphore, #tpu.memory_space<semaphore_mem>>) {add = true}
      %dma_wait3A = arith.constant 0 : i32
      %dma_wait3A_126 = arith.constant 0 : i32
      %dma_wait3A_127 = tpu.memref_slice %arg6[%dma_wait3A, %dma_wait3A_126] : memref<12552x128xf32, #tpu.memory_space<vmem_shared>> -> memref<12552x128xf32, #tpu.memory_space<vmem_shared>>
      tpu.wait_indirect_dma semaphore(%run_scoped3A : memref<!tpu.dma_semaphore, #tpu.memory_space<semaphore_mem>>) src(%arg12 : memref<80x128xf32, #tpu.memory_space<vmem>>) dst(%dma_wait3A_127 : memref<12552x128xf32, #tpu.memory_space<vmem_shared>>)
      tpu.yield
    }) : () -> ()
    %barrier3A_117 = arith.constant 0 : index
    tpu.barrier barrier_id(%barrier3A_117)
    %scan3A_118 = arith.constant 0 : i32
    %scan3A_119 = arith.constant 0 : i32
    %scan3A_120 = arith.constant 7 : i32
    %scan3A_121 = arith.addi %scan3A_119, %scan3A_120 : i32
    %scan3A_122 = arith.constant 1 : i32
    scf.for %scan3A_124 = %scan3A_119 to %scan3A_121 step %scan3A_122  : i32 {
      %mul3A_125 = arith.constant 7 : i32
      %mul3A_126 = arith.muli %arg1, %mul3A_125 : i32
      %add3A_127 = arith.addi %mul3A_126, %scan3A_124 : i32
      %min3A = arith.constant 97 : i32
      %min3A_128 = arith.minsi %add3A_127, %min3A : i32
      %mul3A_129 = arith.constant 128 : i32
      %mul3A_130 = arith.muli %min3A_128, %mul3A_129 : i32
      %add3A_131 = arith.constant 0 : i32
      %add3A_132 = arith.addi %mul3A_130, %add3A_131 : i32
      %iota3A = tpu.iota {dimensions = array<i32: 0>} : vector<16xi32>
      %add3A_133 = vector.broadcast %add3A_132 : i32 to vector<16xi32>
      %add3A_134 = arith.addi %add3A_133, %iota3A : vector<16xi32>
      %swap3A_135 = arith.constant 0 : index
      %swap3A_136 = tpu.vector_load %arg8[%swap3A_135] {strides = array<i32>} : memref<128xi32, #tpu.memory_space<vmem>>, vector<16xi32>,
      %swap3A_137 = vector.shape_cast %swap3A_136 : vector<16xi32> to vector<16xi32>
      %swap3A_138 = vector.shape_cast %add3A_134 : vector<16xi32> to vector<16xi32>
      tpu.vector_store %arg8[%swap3A_135], %swap3A_138 {strides = array<i32>} : memref<128xi32, #tpu.memory_space<vmem>>, vector<16xi32>,
      %add3A_139 = arith.constant 16 : i32
      %add3A_140 = arith.addi %mul3A_130, %add3A_139 : i32
      %iota3A_141 = tpu.iota {dimensions = array<i32: 0>} : vector<16xi32>
      %add3A_142 = vector.broadcast %add3A_140 : i32 to vector<16xi32>
      %add3A_143 = arith.addi %add3A_142, %iota3A_141 : vector<16xi32>
      %swap3A_144 = arith.constant 16 : index
      %swap3A_145 = tpu.vector_load %arg8[%swap3A_144] {strides = array<i32>} : memref<128xi32, #tpu.memory_space<vmem>>, vector<16xi32>,
      %swap3A_146 = vector.shape_cast %swap3A_145 : vector<16xi32> to vector<16xi32>
      %swap3A_147 = vector.shape_cast %add3A_143 : vector<16xi32> to vector<16xi32>
      tpu.vector_store %arg8[%swap3A_144], %swap3A_147 {strides = array<i32>} : memref<128xi32, #tpu.memory_space<vmem>>, vector<16xi32>,
      %add3A_148 = arith.constant 32 : i32
      %add3A_149 = arith.addi %mul3A_130, %add3A_148 : i32
      %iota3A_150 = tpu.iota {dimensions = array<i32: 0>} : vector<16xi32>
      %add3A_151 = vector.broadcast %add3A_149 : i32 to vector<16xi32>
      %add3A_152 = arith.addi %add3A_151, %iota3A_150 : vector<16xi32>
      %swap3A_153 = arith.constant 32 : index
      %swap3A_154 = tpu.vector_load %arg8[%swap3A_153] {strides = array<i32>} : memref<128xi32, #tpu.memory_space<vmem>>, vector<16xi32>,
      %swap3A_155 = vector.shape_cast %swap3A_154 : vector<16xi32> to vector<16xi32>
      %swap3A_156 = vector.shape_cast %add3A_152 : vector<16xi32> to vector<16xi32>
      tpu.vector_store %arg8[%swap3A_153], %swap3A_156 {strides = array<i32>} : memref<128xi32, #tpu.memory_space<vmem>>, vector<16xi32>,
      %add3A_157 = arith.constant 48 : i32
      %add3A_158 = arith.addi %mul3A_130, %add3A_157 : i32
      %iota3A_159 = tpu.iota {dimensions = array<i32: 0>} : vector<16xi32>
      %add3A_160 = vector.broadcast %add3A_158 : i32 to vector<16xi32>
      %add3A_161 = arith.addi %add3A_160, %iota3A_159 : vector<16xi32>
      %swap3A_162 = arith.constant 48 : index
      %swap3A_163 = tpu.vector_load %arg8[%swap3A_162] {strides = array<i32>} : memref<128xi32, #tpu.memory_space<vmem>>, vector<16xi32>,
      %swap3A_164 = vector.shape_cast %swap3A_163 : vector<16xi32> to vector<16xi32>
      %swap3A_165 = vector.shape_cast %add3A_161 : vector<16xi32> to vector<16xi32>
      tpu.vector_store %arg8[%swap3A_162], %swap3A_165 {strides = array<i32>} : memref<128xi32, #tpu.memory_space<vmem>>, vector<16xi32>,
      %add3A_166 = arith.constant 64 : i32
      %add3A_167 = arith.addi %mul3A_130, %add3A_166 : i32
      %iota3A_168 = tpu.iota {dimensions = array<i32: 0>} : vector<16xi32>
      %add3A_169 = vector.broadcast %add3A_167 : i32 to vector<16xi32>
      %add3A_170 = arith.addi %add3A_169, %iota3A_168 : vector<16xi32>
      %swap3A_171 = arith.constant 64 : index
      %swap3A_172 = tpu.vector_load %arg8[%swap3A_171] {strides = array<i32>} : memref<128xi32, #tpu.memory_space<vmem>>, vector<16xi32>,
      %swap3A_173 = vector.shape_cast %swap3A_172 : vector<16xi32> to vector<16xi32>
      %swap3A_174 = vector.shape_cast %add3A_170 : vector<16xi32> to vector<16xi32>
      tpu.vector_store %arg8[%swap3A_171], %swap3A_174 {strides = array<i32>} : memref<128xi32, #tpu.memory_space<vmem>>, vector<16xi32>,
      %add3A_175 = arith.constant 80 : i32
      %add3A_176 = arith.addi %mul3A_130, %add3A_175 : i32
      %iota3A_177 = tpu.iota {dimensions = array<i32: 0>} : vector<16xi32>
      %add3A_178 = vector.broadcast %add3A_176 : i32 to vector<16xi32>
      %add3A_179 = arith.addi %add3A_178, %iota3A_177 : vector<16xi32>
      %swap3A_180 = arith.constant 80 : index
      %swap3A_181 = tpu.vector_load %arg8[%swap3A_180] {strides = array<i32>} : memref<128xi32, #tpu.memory_space<vmem>>, vector<16xi32>,
      %swap3A_182 = vector.shape_cast %swap3A_181 : vector<16xi32> to vector<16xi32>
      %swap3A_183 = vector.shape_cast %add3A_179 : vector<16xi32> to vector<16xi32>
      tpu.vector_store %arg8[%swap3A_180], %swap3A_183 {strides = array<i32>} : memref<128xi32, #tpu.memory_space<vmem>>, vector<16xi32>,
      %add3A_184 = arith.constant 96 : i32
      %add3A_185 = arith.addi %mul3A_130, %add3A_184 : i32
      %iota3A_186 = tpu.iota {dimensions = array<i32: 0>} : vector<16xi32>
      %add3A_187 = vector.broadcast %add3A_185 : i32 to vector<16xi32>
      %add3A_188 = arith.addi %add3A_187, %iota3A_186 : vector<16xi32>
      %swap3A_189 = arith.constant 96 : index
      %swap3A_190 = tpu.vector_load %arg8[%swap3A_189] {strides = array<i32>} : memref<128xi32, #tpu.memory_space<vmem>>, vector<16xi32>,
      %swap3A_191 = vector.shape_cast %swap3A_190 : vector<16xi32> to vector<16xi32>
      %swap3A_192 = vector.shape_cast %add3A_188 : vector<16xi32> to vector<16xi32>
      tpu.vector_store %arg8[%swap3A_189], %swap3A_192 {strides = array<i32>} : memref<128xi32, #tpu.memory_space<vmem>>, vector<16xi32>,
      %add3A_193 = arith.constant 112 : i32
      %add3A_194 = arith.addi %mul3A_130, %add3A_193 : i32
      %iota3A_195 = tpu.iota {dimensions = array<i32: 0>} : vector<16xi32>
      %add3A_196 = vector.broadcast %add3A_194 : i32 to vector<16xi32>
      %add3A_197 = arith.addi %add3A_196, %iota3A_195 : vector<16xi32>
      %swap3A_198 = arith.constant 112 : index
      %swap3A_199 = tpu.vector_load %arg8[%swap3A_198] {strides = array<i32>} : memref<128xi32, #tpu.memory_space<vmem>>, vector<16xi32>,
      %swap3A_200 = vector.shape_cast %swap3A_199 : vector<16xi32> to vector<16xi32>
      %swap3A_201 = vector.shape_cast %add3A_197 : vector<16xi32> to vector<16xi32>
      tpu.vector_store %arg8[%swap3A_198], %swap3A_201 {strides = array<i32>} : memref<128xi32, #tpu.memory_space<vmem>>, vector<16xi32>,
      "tpu.region"() ({
        %run_scoped3A = tpu.sem_alloc : memref<!tpu.dma_semaphore, #tpu.memory_space<semaphore_mem>>
        %dma_start3A = arith.constant 0 : i32
        %dma_start3A_203 = arith.constant 0 : i32
        %dma_start3A_204 = tpu.memref_slice %arg6[%dma_start3A, %dma_start3A_203] : memref<12552x128xf32, #tpu.memory_space<vmem_shared>> -> memref<12552x128xf32, #tpu.memory_space<vmem_shared>>
        tpu.enqueue_indirect_dma source(%dma_start3A_204 : memref<12552x128xf32, #tpu.memory_space<vmem_shared>>) target(%arg9 : memref<128x128xf32, #tpu.memory_space<vmem>>) offsets(%arg8 : memref<128xi32, #tpu.memory_space<vmem>>) semaphore(%run_scoped3A : memref<!tpu.dma_semaphore, #tpu.memory_space<semaphore_mem>>)
        %dma_wait3A = arith.constant 0 : i32
        %dma_wait3A_205 = arith.constant 0 : i32
        %dma_wait3A_206 = tpu.memref_slice %arg6[%dma_wait3A, %dma_wait3A_205] : memref<12552x128xf32, #tpu.memory_space<vmem_shared>> -> memref<12552x128xf32, #tpu.memory_space<vmem_shared>>
        tpu.wait_indirect_dma semaphore(%run_scoped3A : memref<!tpu.dma_semaphore, #tpu.memory_space<semaphore_mem>>) src(%dma_wait3A_206 : memref<12552x128xf32, #tpu.memory_space<vmem_shared>>) dst(%arg9 : memref<128x128xf32, #tpu.memory_space<vmem>>)
        tpu.yield
      }) : () -> ()
      %add3A_202 = arith.addi %mul3A_2, %mul3A_130 : i32
      "tpu.region"() ({
        %run_scoped3A = tpu.sem_alloc : memref<!tpu.dma_semaphore, #tpu.memory_space<semaphore_mem>>
        %dma_start3A = arith.constant 0 : i32
        %dma_start3A_203 = tpu.memref_slice %arg5[%add3A_202, %dma_start3A] : memref<25088x128xf32, #tpu.memory_space<hbm>> -> memref<128x128xf32, #tpu.memory_space<hbm>>
        %dma_start3A_204 = arith.constant 0 : i32
        %dma_start3A_205 = tpu.memref_slice %arg5[%add3A_202, %dma_start3A_204] : memref<25088x128xf32, #tpu.memory_space<hbm>> -> memref<128x128xf32, #tpu.memory_space<hbm>>
        tpu.enqueue_dma source(%arg9 : memref<128x128xf32, #tpu.memory_space<vmem>>) target(%dma_start3A_205 : memref<128x128xf32, #tpu.memory_space<hbm>>) target_semaphore(%run_scoped3A : memref<!tpu.dma_semaphore, #tpu.memory_space<semaphore_mem>>)
        %dma_wait3A = arith.constant 0 : i32
        %dma_wait3A_206 = tpu.memref_slice %arg5[%add3A_202, %dma_wait3A] : memref<25088x128xf32, #tpu.memory_space<hbm>> -> memref<128x128xf32, #tpu.memory_space<hbm>>
        %dma_wait3A_207 = arith.constant 0 : i32
        %dma_wait3A_208 = tpu.memref_slice %arg5[%add3A_202, %dma_wait3A_207] : memref<25088x128xf32, #tpu.memory_space<hbm>> -> memref<128x128xf32, #tpu.memory_space<hbm>>
        tpu.wait_dma2 semaphore(%run_scoped3A : memref<!tpu.dma_semaphore, #tpu.memory_space<semaphore_mem>>) src(%arg9 : memref<128x128xf32, #tpu.memory_space<vmem>>) dst(%dma_wait3A_208 : memref<128x128xf32, #tpu.memory_space<hbm>>)
        tpu.yield
      }) : () -> ()
    }
    %scan3A_123 = arith.constant 7 : i32
    return
  }
}

module attributes {stable_mosaic.version = 14 : i64} {
  func.func @n1_body(%arg0: i32, %arg1: memref<1x1x2000xi32, #tpu.memory_space<vmem>>, %arg2: memref<2000x48xf32, #tpu.memory_space<vmem>>, %arg3: memref<256x64xf32, #tpu.memory_space<vmem>>) attributes {dimension_semantics = [#tpu.dimension_semantics<arbitrary>], iteration_bounds = array<i64: 25>, scalar_prefetch = 0 : i64, scratch_operands = 0 : i64, tpu.core_type = #tpu.core_type<tc>, window_params = [{transform_indices = @transform_0, window_bounds = array<i64: 1, 1, 2000>}, {transform_indices = @transform_1, window_bounds = array<i64: 2000, 48>}, {pipeline_mode = #tpu.pipeline_mode<synchronous>, transform_indices = @transform_2, window_bounds = array<i64: 256, 64>}]} {
    %get3A = arith.constant 0 : index
    %get3A_0 = arith.constant 0 : index
    %get3A_1 = arith.constant 0 : index
    %get3A_2 = vector.load %arg1[%get3A, %get3A_0, %get3A_1] : memref<1x1x2000xi32, #tpu.memory_space<vmem>>, vector<1x1x2000xi32>
    %get3A_3 = vector.shape_cast %get3A_2 : vector<1x1x2000xi32> to vector<2000xi32>
    %broadcast_in_dim3A = vector.shape_cast %get3A_3 : vector<2000xi32> to vector<2000x1xi32>
    %iota3A = tpu.iota {dimensions = array<i32: 1>} : vector<2000x256xi32>
    %eq3A = vector.broadcast %broadcast_in_dim3A : vector<2000x1xi32> to vector<2000x256xi32>
    %eq3A_4 = arith.cmpi eq, %eq3A, %iota3A : vector<2000x256xi32>
    %convert_element_type3A = arith.extui %eq3A_4 : vector<2000x256xi1> to vector<2000x256xi32>
    %convert_element_type3A_5 = arith.sitofp %convert_element_type3A : vector<2000x256xi32> to vector<2000x256xf32>
    %get3A_6 = arith.constant 0 : index
    %get3A_7 = arith.constant 0 : index
    %get3A_8 = vector.load %arg2[%get3A_6, %get3A_7] : memref<2000x48xf32, #tpu.memory_space<vmem>>, vector<2000x48xf32>
    %dot_general3A = arith.constant dense<0.000000e+00> : vector<256x48xf32>
    %dot_general3A_9 = tpu.matmul %convert_element_type3A_5, %get3A_8, %dot_general3A {dimension_numbers = #tpu.dot_dimension_numbers<[0], [0], [1], [1], [0, 1, 1, 1], [], []>, transpose_lhs_hint = false} : vector<2000x256xf32>, vector<2000x48xf32>, vector<256x48xf32> -> vector<256x48xf32>
    %broadcast_in_dim3A_10 = arith.constant 1.000000e+00 : f32
    %broadcast_in_dim3A_11 = vector.broadcast %broadcast_in_dim3A_10 : f32 to vector<2000x16xf32>
    %dot_general3A_12 = arith.constant dense<0.000000e+00> : vector<256x16xf32>
    %dot_general3A_13 = tpu.matmul %convert_element_type3A_5, %broadcast_in_dim3A_11, %dot_general3A_12 {dimension_numbers = #tpu.dot_dimension_numbers<[0], [0], [1], [1], [0, 1, 1, 1], [], []>, transpose_lhs_hint = false} : vector<2000x256xf32>, vector<2000x16xf32>, vector<256x16xf32> -> vector<256x16xf32>
    %concatenate3A = tpu.concatenate %dot_general3A_9, %dot_general3A_13 in 1 : vector<256x48xf32>, vector<256x16xf32> -> vector<256x64xf32>
    %eq3A_14 = arith.constant 0 : i32
    %eq3A_15 = arith.cmpi eq, %arg0, %eq3A_14 : i32
    %convert_element_type3A_16 = arith.extui %eq3A_15 : i1 to i32
    %cond3A = arith.constant 0 : i32
    %cond3A_17 = arith.cmpi ne, %convert_element_type3A_16, %cond3A : i32
    scf.if %cond3A_17 {
      %swap3A = arith.constant 0 : index
      %swap3A_22 = arith.constant 0 : index
      %swap3A_23 = vector.load %arg3[%swap3A, %swap3A_22] : memref<256x64xf32, #tpu.memory_space<vmem>>, vector<256x64xf32>
      tpu.vector_store %arg3[%swap3A, %swap3A_22], %concatenate3A {strides = array<i32>} : memref<256x64xf32, #tpu.memory_space<vmem>>, vector<256x64xf32>,
    } else {
    }
    %gt3A = arith.constant 0 : i32
    %gt3A_18 = arith.cmpi sgt, %arg0, %gt3A : i32
    %convert_element_type3A_19 = arith.extui %gt3A_18 : i1 to i32
    %cond3A_20 = arith.constant 0 : i32
    %cond3A_21 = arith.cmpi ne, %convert_element_type3A_19, %cond3A_20 : i32
    scf.if %cond3A_21 {
      %get3A_22 = arith.constant 0 : index
      %get3A_23 = arith.constant 0 : index
      %get3A_24 = vector.load %arg3[%get3A_22, %get3A_23] : memref<256x64xf32, #tpu.memory_space<vmem>>, vector<256x64xf32>
      %add3A = arith.addf %get3A_24, %concatenate3A : vector<256x64xf32>
      %swap3A = arith.constant 0 : index
      %swap3A_25 = arith.constant 0 : index
      %swap3A_26 = vector.load %arg3[%swap3A, %swap3A_25] : memref<256x64xf32, #tpu.memory_space<vmem>>, vector<256x64xf32>
      tpu.vector_store %arg3[%swap3A, %swap3A_25], %add3A {strides = array<i32>} : memref<256x64xf32, #tpu.memory_space<vmem>>, vector<256x64xf32>,
    } else {
    }
    return
  }
  func.func @transform_0(%arg0: i32) -> (i32, i32, i32) {
    %c0_i32 = arith.constant 0 : i32
    %c0_i32_0 = arith.constant 0 : i32
    %c0_i32_1 = arith.constant 0 : i32
    return %arg0, %c0_i32, %c0_i32_0 : i32, i32, i32
  }
  func.func @transform_1(%arg0: i32) -> (i32, i32) {
    %c0_i32 = arith.constant 0 : i32
    %c0_i32_0 = arith.constant 0 : i32
    return %arg0, %c0_i32 : i32, i32
  }
  func.func @transform_2(%arg0: i32) -> (i32, i32) {
    %c0_i32 = arith.constant 0 : i32
    %c0_i32_0 = arith.constant 0 : i32
    %c0_i32_1 = arith.constant 0 : i32
    return %c0_i32, %c0_i32_0 : i32, i32
  }
}

module attributes {stable_mosaic.version = 14 : i64} {
  func.func @n2_body(%arg0: i32, %arg1: memref<1x1x2000xi32, #tpu.memory_space<vmem>>, %arg2: memref<2000x48xf32, #tpu.memory_space<vmem>>, %arg3: memref<256x64xf32, #tpu.memory_space<vmem>>, %arg4: memref<256x16xf32, #tpu.memory_space<vmem>>) attributes {dimension_semantics = [#tpu.dimension_semantics<arbitrary>], iteration_bounds = array<i64: 25>, scalar_prefetch = 0 : i64, scratch_operands = 0 : i64, tpu.core_type = #tpu.core_type<tc>, window_params = [{transform_indices = @transform_0, window_bounds = array<i64: 1, 1, 2000>}, {transform_indices = @transform_1, window_bounds = array<i64: 2000, 48>}, {pipeline_mode = #tpu.pipeline_mode<synchronous>, transform_indices = @transform_2, window_bounds = array<i64: 256, 64>}, {pipeline_mode = #tpu.pipeline_mode<synchronous>, transform_indices = @transform_3, window_bounds = array<i64: 256, 16>}]} {
    %get3A = arith.constant 0 : index
    %get3A_0 = arith.constant 0 : index
    %get3A_1 = arith.constant 0 : index
    %get3A_2 = vector.load %arg1[%get3A, %get3A_0, %get3A_1] : memref<1x1x2000xi32, #tpu.memory_space<vmem>>, vector<1x1x2000xi32>
    %get3A_3 = vector.shape_cast %get3A_2 : vector<1x1x2000xi32> to vector<2000xi32>
    %broadcast_in_dim3A = vector.shape_cast %get3A_3 : vector<2000xi32> to vector<2000x1xi32>
    %iota3A = tpu.iota {dimensions = array<i32: 1>} : vector<2000x256xi32>
    %eq3A = vector.broadcast %broadcast_in_dim3A : vector<2000x1xi32> to vector<2000x256xi32>
    %eq3A_4 = arith.cmpi eq, %eq3A, %iota3A : vector<2000x256xi32>
    %convert_element_type3A = arith.extui %eq3A_4 : vector<2000x256xi1> to vector<2000x256xi32>
    %convert_element_type3A_5 = arith.sitofp %convert_element_type3A : vector<2000x256xi32> to vector<2000x256xf32>
    %get3A_6 = arith.constant 0 : index
    %get3A_7 = arith.constant 0 : index
    %get3A_8 = vector.load %arg3[%get3A_6, %get3A_7] : memref<256x64xf32, #tpu.memory_space<vmem>>, vector<256x64xf32>
    %slice3A = vector.extract_strided_slice %get3A_8 {offsets = [0, 48], sizes = [256, 16], strides = [1, 1]} : vector<256x64xf32> to vector<256x16xf32>
    %max3A = arith.constant 1.000000e+00 : f32
    %max3A_9 = vector.broadcast %max3A : f32 to vector<256x16xf32>
    %max3A_10 = arith.maximumf %slice3A, %max3A_9 : vector<256x16xf32>
    %concatenate3A = tpu.concatenate %max3A_10, %max3A_10, %max3A_10 in 1 : vector<256x16xf32>, vector<256x16xf32>, vector<256x16xf32> -> vector<256x48xf32>
    %slice3A_11 = vector.extract_strided_slice %get3A_8 {offsets = [0, 0], sizes = [256, 48], strides = [1, 1]} : vector<256x64xf32> to vector<256x48xf32>
    %div3A = arith.divf %slice3A_11, %concatenate3A : vector<256x48xf32>
    %get3A_12 = arith.constant 0 : index
    %get3A_13 = arith.constant 0 : index
    %get3A_14 = vector.load %arg2[%get3A_12, %get3A_13] : memref<2000x48xf32, #tpu.memory_space<vmem>>, vector<2000x48xf32>
    %dot_general3A = arith.constant dense<0.000000e+00> : vector<2000x48xf32>
    %dot_general3A_15 = tpu.matmul %convert_element_type3A_5, %div3A, %dot_general3A {dimension_numbers = #tpu.dot_dimension_numbers<[1], [0], [0], [1], [0, 0, 1, 1], [], []>, transpose_lhs_hint = false} : vector<2000x256xf32>, vector<256x48xf32>, vector<2000x48xf32> -> vector<2000x48xf32>
    %sub3A = arith.subf %get3A_14, %dot_general3A_15 : vector<2000x48xf32>
    %slice3A_16 = vector.extract_strided_slice %sub3A {offsets = [0, 0], sizes = [2000, 16], strides = [1, 1]} : vector<2000x48xf32> to vector<2000x16xf32>
    %slice3A_17 = vector.extract_strided_slice %sub3A {offsets = [0, 16], sizes = [2000, 16], strides = [1, 1]} : vector<2000x48xf32> to vector<2000x16xf32>
    %slice3A_18 = vector.extract_strided_slice %sub3A {offsets = [0, 32], sizes = [2000, 16], strides = [1, 1]} : vector<2000x48xf32> to vector<2000x16xf32>
    %mul3A = arith.mulf %slice3A_16, %slice3A_16 : vector<2000x16xf32>
    %mul3A_19 = arith.mulf %slice3A_17, %slice3A_17 : vector<2000x16xf32>
    %add3A = arith.addf %mul3A, %mul3A_19 : vector<2000x16xf32>
    %mul3A_20 = arith.mulf %slice3A_18, %slice3A_18 : vector<2000x16xf32>
    %add3A_21 = arith.addf %add3A, %mul3A_20 : vector<2000x16xf32>
    %sqrt3A = math.sqrt %add3A_21 : vector<2000x16xf32>
    %dot_general3A_22 = arith.constant dense<0.000000e+00> : vector<256x16xf32>
    %dot_general3A_23 = tpu.matmul %convert_element_type3A_5, %sqrt3A, %dot_general3A_22 {dimension_numbers = #tpu.dot_dimension_numbers<[0], [0], [1], [1], [0, 1, 1, 1], [], []>, transpose_lhs_hint = false} : vector<2000x256xf32>, vector<2000x16xf32>, vector<256x16xf32> -> vector<256x16xf32>
    %eq3A_24 = arith.constant 0 : i32
    %eq3A_25 = arith.cmpi eq, %arg0, %eq3A_24 : i32
    %convert_element_type3A_26 = arith.extui %eq3A_25 : i1 to i32
    %cond3A = arith.constant 0 : i32
    %cond3A_27 = arith.cmpi ne, %convert_element_type3A_26, %cond3A : i32
    scf.if %cond3A_27 {
      %swap3A = arith.constant 0 : index
      %swap3A_32 = arith.constant 0 : index
      %swap3A_33 = vector.load %arg4[%swap3A, %swap3A_32] : memref<256x16xf32, #tpu.memory_space<vmem>>, vector<256x16xf32>
      tpu.vector_store %arg4[%swap3A, %swap3A_32], %dot_general3A_23 {strides = array<i32>} : memref<256x16xf32, #tpu.memory_space<vmem>>, vector<256x16xf32>,
    } else {
    }
    %gt3A = arith.constant 0 : i32
    %gt3A_28 = arith.cmpi sgt, %arg0, %gt3A : i32
    %convert_element_type3A_29 = arith.extui %gt3A_28 : i1 to i32
    %cond3A_30 = arith.constant 0 : i32
    %cond3A_31 = arith.cmpi ne, %convert_element_type3A_29, %cond3A_30 : i32
    scf.if %cond3A_31 {
      %get3A_32 = arith.constant 0 : index
      %get3A_33 = arith.constant 0 : index
      %get3A_34 = vector.load %arg4[%get3A_32, %get3A_33] : memref<256x16xf32, #tpu.memory_space<vmem>>, vector<256x16xf32>
      %add3A_35 = arith.addf %get3A_34, %dot_general3A_23 : vector<256x16xf32>
      %swap3A = arith.constant 0 : index
      %swap3A_36 = arith.constant 0 : index
      %swap3A_37 = vector.load %arg4[%swap3A, %swap3A_36] : memref<256x16xf32, #tpu.memory_space<vmem>>, vector<256x16xf32>
      tpu.vector_store %arg4[%swap3A, %swap3A_36], %add3A_35 {strides = array<i32>} : memref<256x16xf32, #tpu.memory_space<vmem>>, vector<256x16xf32>,
    } else {
    }
    return
  }
  func.func @transform_0(%arg0: i32) -> (i32, i32, i32) {
    %c0_i32 = arith.constant 0 : i32
    %c0_i32_0 = arith.constant 0 : i32
    %c0_i32_1 = arith.constant 0 : i32
    return %arg0, %c0_i32, %c0_i32_0 : i32, i32, i32
  }
  func.func @transform_1(%arg0: i32) -> (i32, i32) {
    %c0_i32 = arith.constant 0 : i32
    %c0_i32_0 = arith.constant 0 : i32
    return %arg0, %c0_i32 : i32, i32
  }
  func.func @transform_2(%arg0: i32) -> (i32, i32) {
    %c0_i32 = arith.constant 0 : i32
    %c0_i32_0 = arith.constant 0 : i32
    %c0_i32_1 = arith.constant 0 : i32
    return %c0_i32, %c0_i32_0 : i32, i32
  }
  func.func @transform_3(%arg0: i32) -> (i32, i32) {
    %c0_i32 = arith.constant 0 : i32
    %c0_i32_0 = arith.constant 0 : i32
    %c0_i32_1 = arith.constant 0 : i32
    return %c0_i32, %c0_i32_0 : i32, i32
  }
}

module attributes {stable_mosaic.version = 14 : i64} {
  func.func @n3_body(%arg0: i32, %arg1: memref<1x1x2000xi32, #tpu.memory_space<vmem>>, %arg2: memref<2000x48xf32, #tpu.memory_space<vmem>>, %arg3: memref<2000x64xf32, #tpu.memory_space<vmem>>, %arg4: memref<256x64xf32, #tpu.memory_space<vmem>>, %arg5: memref<256x64xf32, #tpu.memory_space<vmem>>, %arg6: memref<256x16xf32, #tpu.memory_space<vmem>>, %arg7: memref<208x64xf32, #tpu.memory_space<vmem>>, %arg8: memref<1x64xf32, #tpu.memory_space<vmem>>, %arg9: memref<1x64xf32, #tpu.memory_space<vmem>>, %arg10: memref<1x64xf32, #tpu.memory_space<vmem>>, %arg11: memref<1x16xf32, #tpu.memory_space<vmem>>, %arg12: memref<2000x48xf32, #tpu.memory_space<vmem>>, %arg13: memref<2000x128xf32, #tpu.memory_space<vmem>>, %arg14: memref<2000x128xf32, #tpu.memory_space<vmem>>, %arg15: memref<256x48xf32, #tpu.memory_space<vmem>>) attributes {dimension_semantics = [#tpu.dimension_semantics<arbitrary>], iteration_bounds = array<i64: 25>, scalar_prefetch = 0 : i64, scratch_operands = 0 : i64, tpu.core_type = #tpu.core_type<tc>, window_params = [{transform_indices = @transform_0, window_bounds = array<i64: 1, 1, 2000>}, {transform_indices = @transform_1, window_bounds = array<i64: 2000, 48>}, {transform_indices = @transform_2, window_bounds = array<i64: 2000, 64>}, {pipeline_mode = #tpu.pipeline_mode<synchronous>, transform_indices = @transform_3, window_bounds = array<i64: 256, 64>}, {pipeline_mode = #tpu.pipeline_mode<synchronous>, transform_indices = @transform_4, window_bounds = array<i64: 256, 64>}, {pipeline_mode = #tpu.pipeline_mode<synchronous>, transform_indices = @transform_5, window_bounds = array<i64: 256, 16>}, {pipeline_mode = #tpu.pipeline_mode<synchronous>, transform_indices = @transform_6, window_bounds = array<i64: 208, 64>}, {pipeline_mode = #tpu.pipeline_mode<synchronous>, transform_indices = @transform_7, window_bounds = array<i64: 1, 64>}, {pipeline_mode = #tpu.pipeline_mode<synchronous>, transform_indices = @transform_8, window_bounds = array<i64: 1, 64>}, {pipeline_mode = #tpu.pipeline_mode<synchronous>, transform_indices = @transform_9, window_bounds = array<i64: 1, 64>}, {pipeline_mode = #tpu.pipeline_mode<synchronous>, transform_indices = @transform_10, window_bounds = array<i64: 1, 16>}, {transform_indices = @transform_11, window_bounds = array<i64: 2000, 48>}, {transform_indices = @transform_12, window_bounds = array<i64: 2000, 128>}, {transform_indices = @transform_13, window_bounds = array<i64: 2000, 128>}, {pipeline_mode = #tpu.pipeline_mode<synchronous>, transform_indices = @transform_14, window_bounds = array<i64: 256, 48>}]} {
    %get3A = arith.constant 0 : index
    %get3A_0 = arith.constant 0 : index
    %get3A_1 = arith.constant 0 : index
    %get3A_2 = vector.load %arg1[%get3A, %get3A_0, %get3A_1] : memref<1x1x2000xi32, #tpu.memory_space<vmem>>, vector<1x1x2000xi32>
    %get3A_3 = vector.shape_cast %get3A_2 : vector<1x1x2000xi32> to vector<2000xi32>
    %broadcast_in_dim3A = vector.shape_cast %get3A_3 : vector<2000xi32> to vector<2000x1xi32>
    %iota3A = tpu.iota {dimensions = array<i32: 1>} : vector<2000x256xi32>
    %eq3A = vector.broadcast %broadcast_in_dim3A : vector<2000x1xi32> to vector<2000x256xi32>
    %eq3A_4 = arith.cmpi eq, %eq3A, %iota3A : vector<2000x256xi32>
    %convert_element_type3A = arith.extui %eq3A_4 : vector<2000x256xi1> to vector<2000x256xi32>
    %convert_element_type3A_5 = arith.sitofp %convert_element_type3A : vector<2000x256xi32> to vector<2000x256xf32>
    %get3A_6 = arith.constant 0 : index
    %get3A_7 = arith.constant 0 : index
    %get3A_8 = vector.load %arg5[%get3A_6, %get3A_7] : memref<256x64xf32, #tpu.memory_space<vmem>>, vector<256x64xf32>
    %slice3A = vector.extract_strided_slice %get3A_8 {offsets = [0, 48], sizes = [256, 16], strides = [1, 1]} : vector<256x64xf32> to vector<256x16xf32>
    %max3A = arith.constant 1.000000e+00 : f32
    %max3A_9 = vector.broadcast %max3A : f32 to vector<256x16xf32>
    %max3A_10 = arith.maximumf %slice3A, %max3A_9 : vector<256x16xf32>
    %concatenate3A = tpu.concatenate %max3A_10, %max3A_10, %max3A_10 in 1 : vector<256x16xf32>, vector<256x16xf32>, vector<256x16xf32> -> vector<256x48xf32>
    %slice3A_11 = vector.extract_strided_slice %get3A_8 {offsets = [0, 0], sizes = [256, 48], strides = [1, 1]} : vector<256x64xf32> to vector<256x48xf32>
    %div3A = arith.divf %slice3A_11, %concatenate3A : vector<256x48xf32>
    %get3A_12 = arith.constant 0 : index
    %get3A_13 = arith.constant 0 : index
    %get3A_14 = vector.load %arg2[%get3A_12, %get3A_13] : memref<2000x48xf32, #tpu.memory_space<vmem>>, vector<2000x48xf32>
    %dot_general3A = arith.constant dense<0.000000e+00> : vector<2000x48xf32>
    %dot_general3A_15 = tpu.matmul %convert_element_type3A_5, %div3A, %dot_general3A {dimension_numbers = #tpu.dot_dimension_numbers<[1], [0], [0], [1], [0, 0, 1, 1], [], []>, transpose_lhs_hint = false} : vector<2000x256xf32>, vector<256x48xf32>, vector<2000x48xf32> -> vector<2000x48xf32>
    %sub3A = arith.subf %get3A_14, %dot_general3A_15 : vector<2000x48xf32>
    %slice3A_16 = vector.extract_strided_slice %sub3A {offsets = [0, 0], sizes = [2000, 16], strides = [1, 1]} : vector<2000x48xf32> to vector<2000x16xf32>
    %slice3A_17 = vector.extract_strided_slice %sub3A {offsets = [0, 16], sizes = [2000, 16], strides = [1, 1]} : vector<2000x48xf32> to vector<2000x16xf32>
    %slice3A_18 = vector.extract_strided_slice %sub3A {offsets = [0, 32], sizes = [2000, 16], strides = [1, 1]} : vector<2000x48xf32> to vector<2000x16xf32>
    %get3A_19 = arith.constant 0 : index
    %get3A_20 = arith.constant 0 : index
    %get3A_21 = vector.load %arg6[%get3A_19, %get3A_20] : memref<256x16xf32, #tpu.memory_space<vmem>>, vector<256x16xf32>
    %div3A_22 = arith.divf %get3A_21, %max3A_10 : vector<256x16xf32>
    %dot_general3A_23 = arith.constant dense<0.000000e+00> : vector<2000x16xf32>
    %dot_general3A_24 = tpu.matmul %convert_element_type3A_5, %div3A_22, %dot_general3A_23 {dimension_numbers = #tpu.dot_dimension_numbers<[1], [0], [0], [1], [0, 0, 1, 1], [], []>, transpose_lhs_hint = false} : vector<2000x256xf32>, vector<256x16xf32>, vector<2000x16xf32> -> vector<2000x16xf32>
    %add3A = arith.constant 9.99999974E-6 : f32
    %add3A_25 = vector.broadcast %add3A : f32 to vector<2000x16xf32>
    %add3A_26 = arith.addf %dot_general3A_24, %add3A_25 : vector<2000x16xf32>
    %get3A_27 = arith.constant 0 : index
    %get3A_28 = arith.constant 0 : index
    %get3A_29 = vector.load %arg11[%get3A_27, %get3A_28] : memref<1x16xf32, #tpu.memory_space<vmem>>, vector<1x16xf32>
    %mul3A = vector.broadcast %get3A_29 : vector<1x16xf32> to vector<2000x16xf32>
    %mul3A_30 = arith.mulf %mul3A, %slice3A_16 : vector<2000x16xf32>
    %div3A_31 = arith.divf %mul3A_30, %add3A_26 : vector<2000x16xf32>
    %mul3A_32 = vector.broadcast %get3A_29 : vector<1x16xf32> to vector<2000x16xf32>
    %mul3A_33 = arith.mulf %mul3A_32, %slice3A_17 : vector<2000x16xf32>
    %div3A_34 = arith.divf %mul3A_33, %add3A_26 : vector<2000x16xf32>
    %mul3A_35 = vector.broadcast %get3A_29 : vector<1x16xf32> to vector<2000x16xf32>
    %mul3A_36 = arith.mulf %mul3A_35, %slice3A_18 : vector<2000x16xf32>
    %div3A_37 = arith.divf %mul3A_36, %add3A_26 : vector<2000x16xf32>
    %concatenate3A_38 = tpu.concatenate %div3A_31, %div3A_34, %div3A_37 in 1 : vector<2000x16xf32>, vector<2000x16xf32>, vector<2000x16xf32> -> vector<2000x48xf32>
    %swap3A = arith.constant 0 : index
    %swap3A_39 = arith.constant 0 : index
    %swap3A_40 = vector.load %arg12[%swap3A, %swap3A_39] : memref<2000x48xf32, #tpu.memory_space<vmem>>, vector<2000x48xf32>
    tpu.vector_store %arg12[%swap3A, %swap3A_39], %concatenate3A_38 {strides = array<i32>} : memref<2000x48xf32, #tpu.memory_space<vmem>>, vector<2000x48xf32>,
    %get3A_41 = arith.constant 0 : index
    %get3A_42 = arith.constant 0 : index
    %get3A_43 = vector.load %arg3[%get3A_41, %get3A_42] : memref<2000x64xf32, #tpu.memory_space<vmem>>, vector<2000x64xf32>
    %reduce_sum3A = arith.constant dense<0.000000e+00> : vector<2000xf32>
    %reduce_sum3A_44 = vector.multi_reduction <add>, %get3A_43, %reduce_sum3A [1] : vector<2000x64xf32> to vector<2000xf32>
    %broadcast_in_dim3A_45 = vector.shape_cast %reduce_sum3A_44 : vector<2000xf32> to vector<2000x1xf32>
    %div3A_46 = arith.constant 6.400000e+01 : f32
    %div3A_47 = vector.broadcast %div3A_46 : f32 to vector<2000x1xf32>
    %div3A_48 = arith.divf %broadcast_in_dim3A_45, %div3A_47 : vector<2000x1xf32>
    %sub3A_49 = vector.broadcast %div3A_48 : vector<2000x1xf32> to vector<2000x64xf32>
    %sub3A_50 = arith.subf %get3A_43, %sub3A_49 : vector<2000x64xf32>
    %integer_pow3A = arith.mulf %sub3A_50, %sub3A_50 : vector<2000x64xf32>
    %reduce_sum3A_51 = arith.constant dense<0.000000e+00> : vector<2000xf32>
    %reduce_sum3A_52 = vector.multi_reduction <add>, %integer_pow3A, %reduce_sum3A_51 [1] : vector<2000x64xf32> to vector<2000xf32>
    %broadcast_in_dim3A_53 = vector.shape_cast %reduce_sum3A_52 : vector<2000xf32> to vector<2000x1xf32>
    %div3A_54 = arith.constant 6.400000e+01 : f32
    %div3A_55 = vector.broadcast %div3A_54 : f32 to vector<2000x1xf32>
    %div3A_56 = arith.divf %broadcast_in_dim3A_53, %div3A_55 : vector<2000x1xf32>
    %sub3A_57 = vector.broadcast %div3A_48 : vector<2000x1xf32> to vector<2000x64xf32>
    %sub3A_58 = arith.subf %get3A_43, %sub3A_57 : vector<2000x64xf32>
    %add3A_59 = arith.constant 9.99999974E-6 : f32
    %add3A_60 = vector.broadcast %add3A_59 : f32 to vector<2000x1xf32>
    %add3A_61 = arith.addf %div3A_56, %add3A_60 : vector<2000x1xf32>
    %sqrt3A = math.sqrt %add3A_61 : vector<2000x1xf32>
    %div3A_62 = vector.broadcast %sqrt3A : vector<2000x1xf32> to vector<2000x64xf32>
    %div3A_63 = arith.divf %sub3A_58, %div3A_62 : vector<2000x64xf32>
    %get3A_64 = arith.constant 0 : index
    %get3A_65 = arith.constant 0 : index
    %get3A_66 = vector.load %arg9[%get3A_64, %get3A_65] : memref<1x64xf32, #tpu.memory_space<vmem>>, vector<1x64xf32>
    %mul3A_67 = vector.broadcast %get3A_66 : vector<1x64xf32> to vector<2000x64xf32>
    %mul3A_68 = arith.mulf %div3A_63, %mul3A_67 : vector<2000x64xf32>
    %get3A_69 = arith.constant 0 : index
    %get3A_70 = arith.constant 0 : index
    %get3A_71 = vector.load %arg10[%get3A_69, %get3A_70] : memref<1x64xf32, #tpu.memory_space<vmem>>, vector<1x64xf32>
    %add3A_72 = vector.broadcast %get3A_71 : vector<1x64xf32> to vector<2000x64xf32>
    %add3A_73 = arith.addf %mul3A_68, %add3A_72 : vector<2000x64xf32>
    %get3A_74 = arith.constant 0 : index
    %get3A_75 = arith.constant 0 : index
    %get3A_76 = vector.load %arg7[%get3A_74, %get3A_75] : memref<208x64xf32, #tpu.memory_space<vmem>>, vector<208x64xf32>
    %slice3A_77 = vector.extract_strided_slice %get3A_76 {offsets = [0, 0], sizes = [64, 64], strides = [1, 1]} : vector<208x64xf32> to vector<64x64xf32>
    %slice3A_78 = vector.extract_strided_slice %get3A_76 {offsets = [64, 0], sizes = [64, 64], strides = [1, 1]} : vector<208x64xf32> to vector<64x64xf32>
    %slice3A_79 = vector.extract_strided_slice %get3A_76 {offsets = [144, 0], sizes = [64, 64], strides = [1, 1]} : vector<208x64xf32> to vector<64x64xf32>
    %get3A_80 = arith.constant 0 : index
    %get3A_81 = arith.constant 0 : index
    %get3A_82 = vector.load %arg4[%get3A_80, %get3A_81] : memref<256x64xf32, #tpu.memory_space<vmem>>, vector<256x64xf32>
    %dot_general3A_83 = arith.constant dense<0.000000e+00> : vector<256x64xf32>
    %dot_general3A_84 = tpu.matmul %get3A_82, %slice3A_79, %dot_general3A_83 {dimension_numbers = #tpu.dot_dimension_numbers<[1], [0], [0], [1], [0, 0, 1, 1], [], []>, transpose_lhs_hint = false} : vector<256x64xf32>, vector<64x64xf32>, vector<256x64xf32> -> vector<256x64xf32>
    %dot_general3A_85 = arith.constant dense<0.000000e+00> : vector<2000x64xf32>
    %dot_general3A_86 = tpu.matmul %add3A_73, %slice3A_78, %dot_general3A_85 {dimension_numbers = #tpu.dot_dimension_numbers<[1], [0], [0], [1], [0, 0, 1, 1], [], []>, transpose_lhs_hint = false} : vector<2000x64xf32>, vector<64x64xf32>, vector<2000x64xf32> -> vector<2000x64xf32>
    %dot_general3A_87 = arith.constant dense<0.000000e+00> : vector<2000x64xf32>
    %dot_general3A_88 = tpu.matmul %convert_element_type3A_5, %dot_general3A_84, %dot_general3A_87 {dimension_numbers = #tpu.dot_dimension_numbers<[1], [0], [0], [1], [0, 0, 1, 1], [], []>, transpose_lhs_hint = false} : vector<2000x256xf32>, vector<256x64xf32>, vector<2000x64xf32> -> vector<2000x64xf32>
    %add3A_89 = arith.addf %dot_general3A_86, %dot_general3A_88 : vector<2000x64xf32>
    %get3A_90 = arith.constant 0 : index
    %get3A_91 = arith.constant 0 : index
    %get3A_92 = vector.load %arg8[%get3A_90, %get3A_91] : memref<1x64xf32, #tpu.memory_space<vmem>>, vector<1x64xf32>
    %add3A_93 = vector.broadcast %get3A_92 : vector<1x64xf32> to vector<2000x64xf32>
    %add3A_94 = arith.addf %add3A_89, %add3A_93 : vector<2000x64xf32>
    %dot_general3A_95 = arith.constant dense<0.000000e+00> : vector<2000x64xf32>
    %dot_general3A_96 = tpu.matmul %add3A_73, %slice3A_77, %dot_general3A_95 {dimension_numbers = #tpu.dot_dimension_numbers<[1], [0], [0], [1], [0, 0, 1, 1], [], []>, transpose_lhs_hint = false} : vector<2000x64xf32>, vector<64x64xf32>, vector<2000x64xf32> -> vector<2000x64xf32>
    %broadcast_in_dim3A_97 = arith.constant 0.000000e+00 : f32
    %broadcast_in_dim3A_98 = vector.broadcast %broadcast_in_dim3A_97 : f32 to vector<2000x16xf32>
    %concatenate3A_99 = tpu.concatenate %concatenate3A_38, %broadcast_in_dim3A_98, %add3A_94 in 1 : vector<2000x48xf32>, vector<2000x16xf32>, vector<2000x64xf32> -> vector<2000x128xf32>
    %swap3A_100 = arith.constant 0 : index
    %swap3A_101 = arith.constant 0 : index
    %swap3A_102 = vector.load %arg13[%swap3A_100, %swap3A_101] : memref<2000x128xf32, #tpu.memory_space<vmem>>, vector<2000x128xf32>
    tpu.vector_store %arg13[%swap3A_100, %swap3A_101], %concatenate3A_99 {strides = array<i32>} : memref<2000x128xf32, #tpu.memory_space<vmem>>, vector<2000x128xf32>,
    %concatenate3A_103 = tpu.concatenate %concatenate3A_38, %broadcast_in_dim3A_98, %dot_general3A_96 in 1 : vector<2000x48xf32>, vector<2000x16xf32>, vector<2000x64xf32> -> vector<2000x128xf32>
    %swap3A_104 = arith.constant 0 : index
    %swap3A_105 = arith.constant 0 : index
    %swap3A_106 = vector.load %arg14[%swap3A_104, %swap3A_105] : memref<2000x128xf32, #tpu.memory_space<vmem>>, vector<2000x128xf32>
    tpu.vector_store %arg14[%swap3A_104, %swap3A_105], %concatenate3A_103 {strides = array<i32>} : memref<2000x128xf32, #tpu.memory_space<vmem>>, vector<2000x128xf32>,
    %dot_general3A_107 = arith.constant dense<0.000000e+00> : vector<256x48xf32>
    %dot_general3A_108 = tpu.matmul %convert_element_type3A_5, %concatenate3A_38, %dot_general3A_107 {dimension_numbers = #tpu.dot_dimension_numbers<[0], [0], [1], [1], [0, 1, 1, 1], [], []>, transpose_lhs_hint = false} : vector<2000x256xf32>, vector<2000x48xf32>, vector<256x48xf32> -> vector<256x48xf32>
    %eq3A_109 = arith.constant 0 : i32
    %eq3A_110 = arith.cmpi eq, %arg0, %eq3A_109 : i32
    %convert_element_type3A_111 = arith.extui %eq3A_110 : i1 to i32
    %cond3A = arith.constant 0 : i32
    %cond3A_112 = arith.cmpi ne, %convert_element_type3A_111, %cond3A : i32
    scf.if %cond3A_112 {
      %swap3A_117 = arith.constant 0 : index
      %swap3A_118 = arith.constant 0 : index
      %swap3A_119 = vector.load %arg15[%swap3A_117, %swap3A_118] : memref<256x48xf32, #tpu.memory_space<vmem>>, vector<256x48xf32>
      tpu.vector_store %arg15[%swap3A_117, %swap3A_118], %dot_general3A_108 {strides = array<i32>} : memref<256x48xf32, #tpu.memory_space<vmem>>, vector<256x48xf32>,
    } else {
    }
    %gt3A = arith.constant 0 : i32
    %gt3A_113 = arith.cmpi sgt, %arg0, %gt3A : i32
    %convert_element_type3A_114 = arith.extui %gt3A_113 : i1 to i32
    %cond3A_115 = arith.constant 0 : i32
    %cond3A_116 = arith.cmpi ne, %convert_element_type3A_114, %cond3A_115 : i32
    scf.if %cond3A_116 {
      %get3A_117 = arith.constant 0 : index
      %get3A_118 = arith.constant 0 : index
      %get3A_119 = vector.load %arg15[%get3A_117, %get3A_118] : memref<256x48xf32, #tpu.memory_space<vmem>>, vector<256x48xf32>
      %add3A_120 = arith.addf %get3A_119, %dot_general3A_108 : vector<256x48xf32>
      %swap3A_121 = arith.constant 0 : index
      %swap3A_122 = arith.constant 0 : index
      %swap3A_123 = vector.load %arg15[%swap3A_121, %swap3A_122] : memref<256x48xf32, #tpu.memory_space<vmem>>, vector<256x48xf32>
      tpu.vector_store %arg15[%swap3A_121, %swap3A_122], %add3A_120 {strides = array<i32>} : memref<256x48xf32, #tpu.memory_space<vmem>>, vector<256x48xf32>,
    } else {
    }
    return
  }
  func.func @transform_0(%arg0: i32) -> (i32, i32, i32) {
    %c0_i32 = arith.constant 0 : i32
    %c0_i32_0 = arith.constant 0 : i32
    %c0_i32_1 = arith.constant 0 : i32
    return %arg0, %c0_i32, %c0_i32_0 : i32, i32, i32
  }
  func.func @transform_1(%arg0: i32) -> (i32, i32) {
    %c0_i32 = arith.constant 0 : i32
    %c0_i32_0 = arith.constant 0 : i32
    return %arg0, %c0_i32 : i32, i32
  }
  func.func @transform_2(%arg0: i32) -> (i32, i32) {
    %c0_i32 = arith.constant 0 : i32
    %c0_i32_0 = arith.constant 0 : i32
    return %arg0, %c0_i32 : i32, i32
  }
  func.func @transform_3(%arg0: i32) -> (i32, i32) {
    %c0_i32 = arith.constant 0 : i32
    %c0_i32_0 = arith.constant 0 : i32
    %c0_i32_1 = arith.constant 0 : i32
    return %c0_i32, %c0_i32_0 : i32, i32
  }
  func.func @transform_4(%arg0: i32) -> (i32, i32) {
    %c0_i32 = arith.constant 0 : i32
    %c0_i32_0 = arith.constant 0 : i32
    %c0_i32_1 = arith.constant 0 : i32
    return %c0_i32, %c0_i32_0 : i32, i32
  }
  func.func @transform_5(%arg0: i32) -> (i32, i32) {
    %c0_i32 = arith.constant 0 : i32
    %c0_i32_0 = arith.constant 0 : i32
    %c0_i32_1 = arith.constant 0 : i32
    return %c0_i32, %c0_i32_0 : i32, i32
  }
  func.func @transform_6(%arg0: i32) -> (i32, i32) {
    %c0_i32 = arith.constant 0 : i32
    %c0_i32_0 = arith.constant 0 : i32
    %c0_i32_1 = arith.constant 0 : i32
    return %c0_i32, %c0_i32_0 : i32, i32
  }
  func.func @transform_7(%arg0: i32) -> (i32, i32) {
    %c0_i32 = arith.constant 0 : i32
    %c0_i32_0 = arith.constant 0 : i32
    %c0_i32_1 = arith.constant 0 : i32
    return %c0_i32, %c0_i32_0 : i32, i32
  }
  func.func @transform_8(%arg0: i32) -> (i32, i32) {
    %c0_i32 = arith.constant 0 : i32
    %c0_i32_0 = arith.constant 0 : i32
    %c0_i32_1 = arith.constant 0 : i32
    return %c0_i32, %c0_i32_0 : i32, i32
  }
  func.func @transform_9(%arg0: i32) -> (i32, i32) {
    %c0_i32 = arith.constant 0 : i32
    %c0_i32_0 = arith.constant 0 : i32
    %c0_i32_1 = arith.constant 0 : i32
    return %c0_i32, %c0_i32_0 : i32, i32
  }
  func.func @transform_10(%arg0: i32) -> (i32, i32) {
    %c0_i32 = arith.constant 0 : i32
    %c0_i32_0 = arith.constant 0 : i32
    %c0_i32_1 = arith.constant 0 : i32
    return %c0_i32, %c0_i32_0 : i32, i32
  }
  func.func @transform_11(%arg0: i32) -> (i32, i32) {
    %c0_i32 = arith.constant 0 : i32
    %c0_i32_0 = arith.constant 0 : i32
    return %arg0, %c0_i32 : i32, i32
  }
  func.func @transform_12(%arg0: i32) -> (i32, i32) {
    %c0_i32 = arith.constant 0 : i32
    %c0_i32_0 = arith.constant 0 : i32
    return %arg0, %c0_i32 : i32, i32
  }
  func.func @transform_13(%arg0: i32) -> (i32, i32) {
    %c0_i32 = arith.constant 0 : i32
    %c0_i32_0 = arith.constant 0 : i32
    return %arg0, %c0_i32 : i32, i32
  }
  func.func @transform_14(%arg0: i32) -> (i32, i32) {
    %c0_i32 = arith.constant 0 : i32
    %c0_i32_0 = arith.constant 0 : i32
    %c0_i32_1 = arith.constant 0 : i32
    return %c0_i32, %c0_i32_0 : i32, i32
  }
}

module attributes {stable_mosaic.version = 14 : i64} {
  func.func @e1_body(%arg0: i32, %arg1: memref<1x1x4000xi32, #tpu.memory_space<vmem>>, %arg2: memref<1x1x4000xi32, #tpu.memory_space<vmem>>, %arg3: memref<4000x128xf32, #tpu.memory_space<vmem>>, %arg4: memref<4000x128xf32, #tpu.memory_space<vmem>>, %arg5: memref<256x64xf32, #tpu.memory_space<vmem>>, %arg6: memref<256x48xf32, #tpu.memory_space<vmem>>, %arg7: memref<48x16xf32, #tpu.memory_space<vmem>>, %arg8: memref<16x48xf32, #tpu.memory_space<vmem>>, %arg9: memref<48x48xf32, #tpu.memory_space<vmem>>, %arg10: memref<48x48xf32, #tpu.memory_space<vmem>>, %arg11: memref<48x256xf32, #tpu.memory_space<vmem>>, %arg12: memref<16x64xf32, #tpu.memory_space<vmem>>, %arg13: memref<64x64xf32, #tpu.memory_space<vmem>>, %arg14: memref<1x64xf32, #tpu.memory_space<vmem>>, %arg15: memref<64x64xf32, #tpu.memory_space<vmem>>, %arg16: memref<1x64xf32, #tpu.memory_space<vmem>>, %arg17: memref<64x16xf32, #tpu.memory_space<vmem>>, %arg18: memref<1x16xf32, #tpu.memory_space<vmem>>, %arg19: memref<64x64xf32, #tpu.memory_space<vmem>>, %arg20: memref<1x64xf32, #tpu.memory_space<vmem>>, %arg21: memref<64x16xf32, #tpu.memory_space<vmem>>, %arg22: memref<1x16xf32, #tpu.memory_space<vmem>>, %arg23: memref<4000x128xf32, #tpu.memory_space<vmem>>) attributes {dimension_semantics = [#tpu.dimension_semantics<arbitrary>], iteration_bounds = array<i64: 200>, scalar_prefetch = 0 : i64, scratch_operands = 0 : i64, tpu.core_type = #tpu.core_type<tc>, window_params = [{transform_indices = @transform_0, window_bounds = array<i64: 1, 1, 4000>}, {transform_indices = @transform_1, window_bounds = array<i64: 1, 1, 4000>}, {transform_indices = @transform_2, window_bounds = array<i64: 4000, 128>}, {transform_indices = @transform_3, window_bounds = array<i64: 4000, 128>}, {pipeline_mode = #tpu.pipeline_mode<synchronous>, transform_indices = @transform_4, window_bounds = array<i64: 256, 64>}, {pipeline_mode = #tpu.pipeline_mode<synchronous>, transform_indices = @transform_5, window_bounds = array<i64: 256, 48>}, {pipeline_mode = #tpu.pipeline_mode<synchronous>, transform_indices = @transform_6, window_bounds = array<i64: 48, 16>}, {pipeline_mode = #tpu.pipeline_mode<synchronous>, transform_indices = @transform_7, window_bounds = array<i64: 16, 48>}, {pipeline_mode = #tpu.pipeline_mode<synchronous>, transform_indices = @transform_8, window_bounds = array<i64: 48, 48>}, {pipeline_mode = #tpu.pipeline_mode<synchronous>, transform_indices = @transform_9, window_bounds = array<i64: 48, 48>}, {pipeline_mode = #tpu.pipeline_mode<synchronous>, transform_indices = @transform_10, window_bounds = array<i64: 48, 256>}, {pipeline_mode = #tpu.pipeline_mode<synchronous>, transform_indices = @transform_11, window_bounds = array<i64: 16, 64>}, {pipeline_mode = #tpu.pipeline_mode<synchronous>, transform_indices = @transform_12, window_bounds = array<i64: 64, 64>}, {pipeline_mode = #tpu.pipeline_mode<synchronous>, transform_indices = @transform_13, window_bounds = array<i64: 1, 64>}, {pipeline_mode = #tpu.pipeline_mode<synchronous>, transform_indices = @transform_14, window_bounds = array<i64: 64, 64>}, {pipeline_mode = #tpu.pipeline_mode<synchronous>, transform_indices = @transform_15, window_bounds = array<i64: 1, 64>}, {pipeline_mode = #tpu.pipeline_mode<synchronous>, transform_indices = @transform_16, window_bounds = array<i64: 64, 16>}, {pipeline_mode = #tpu.pipeline_mode<synchronous>, transform_indices = @transform_17, window_bounds = array<i64: 1, 16>}, {pipeline_mode = #tpu.pipeline_mode<synchronous>, transform_indices = @transform_18, window_bounds = array<i64: 64, 64>}, {pipeline_mode = #tpu.pipeline_mode<synchronous>, transform_indices = @transform_19, window_bounds = array<i64: 1, 64>}, {pipeline_mode = #tpu.pipeline_mode<synchronous>, transform_indices = @transform_20, window_bounds = array<i64: 64, 16>}, {pipeline_mode = #tpu.pipeline_mode<synchronous>, transform_indices = @transform_21, window_bounds = array<i64: 1, 16>}, {transform_indices = @transform_22, window_bounds = array<i64: 4000, 128>}]} {
    %get3A = arith.constant 0 : index
    %get3A_0 = arith.constant 0 : index
    %get3A_1 = vector.load %arg3[%get3A, %get3A_0] : memref<4000x128xf32, #tpu.memory_space<vmem>>, vector<4000x128xf32>
    %get3A_2 = arith.constant 0 : index
    %get3A_3 = arith.constant 0 : index
    %get3A_4 = vector.load %arg4[%get3A_2, %get3A_3] : memref<4000x128xf32, #tpu.memory_space<vmem>>, vector<4000x128xf32>
    %get3A_5 = arith.constant 0 : index
    %get3A_6 = arith.constant 0 : index
    %get3A_7 = vector.load %arg7[%get3A_5, %get3A_6] : memref<48x16xf32, #tpu.memory_space<vmem>>, vector<48x16xf32>
    %get3A_8 = arith.constant 0 : index
    %get3A_9 = arith.constant 0 : index
    %get3A_10 = vector.load %arg8[%get3A_8, %get3A_9] : memref<16x48xf32, #tpu.memory_space<vmem>>, vector<16x48xf32>
    %slice3A = vector.extract_strided_slice %get3A_1 {offsets = [0, 0], sizes = [4000, 48], strides = [1, 1]} : vector<4000x128xf32> to vector<4000x48xf32>
    %slice3A_11 = vector.extract_strided_slice %get3A_4 {offsets = [0, 0], sizes = [4000, 48], strides = [1, 1]} : vector<4000x128xf32> to vector<4000x48xf32>
    %sub3A = arith.subf %slice3A, %slice3A_11 : vector<4000x48xf32>
    %mul3A = arith.mulf %sub3A, %sub3A : vector<4000x48xf32>
    %dot_general3A = arith.constant dense<0.000000e+00> : vector<4000x16xf32>
    %dot_general3A_12 = tpu.matmul %mul3A, %get3A_7, %dot_general3A {dimension_numbers = #tpu.dot_dimension_numbers<[1], [0], [0], [1], [0, 0, 1, 1], [], []>, transpose_lhs_hint = false} : vector<4000x48xf32>, vector<48x16xf32>, vector<4000x16xf32> -> vector<4000x16xf32>
    %slice3A_13 = vector.extract_strided_slice %get3A_1 {offsets = [0, 64], sizes = [4000, 64], strides = [1, 1]} : vector<4000x128xf32> to vector<4000x64xf32>
    %slice3A_14 = vector.extract_strided_slice %get3A_4 {offsets = [0, 64], sizes = [4000, 64], strides = [1, 1]} : vector<4000x128xf32> to vector<4000x64xf32>
    %add3A = arith.addf %slice3A_13, %slice3A_14 : vector<4000x64xf32>
    %get3A_15 = arith.constant 0 : index
    %get3A_16 = arith.constant 0 : index
    %get3A_17 = vector.load %arg12[%get3A_15, %get3A_16] : memref<16x64xf32, #tpu.memory_space<vmem>>, vector<16x64xf32>
    %dot_general3A_18 = arith.constant dense<0.000000e+00> : vector<4000x64xf32>
    %dot_general3A_19 = tpu.matmul %dot_general3A_12, %get3A_17, %dot_general3A_18 {dimension_numbers = #tpu.dot_dimension_numbers<[1], [0], [0], [1], [0, 0, 1, 1], [], []>, transpose_lhs_hint = false} : vector<4000x16xf32>, vector<16x64xf32>, vector<4000x64xf32> -> vector<4000x64xf32>
    %add3A_20 = arith.addf %add3A, %dot_general3A_19 : vector<4000x64xf32>
    %neg3A = arith.constant 0.000000e+00 : f32
    %neg3A_21 = vector.broadcast %neg3A : f32 to vector<4000x64xf32>
    %neg3A_22 = arith.subf %neg3A_21, %add3A_20 : vector<4000x64xf32>
    %exp3A = math.exp %neg3A_22 : vector<4000x64xf32>
    %add3A_23 = arith.constant 1.000000e+00 : f32
    %add3A_24 = vector.broadcast %add3A_23 : f32 to vector<4000x64xf32>
    %add3A_25 = arith.addf %add3A_24, %exp3A : vector<4000x64xf32>
    %div3A = arith.divf %add3A_20, %add3A_25 : vector<4000x64xf32>
    %get3A_26 = arith.constant 0 : index
    %get3A_27 = arith.constant 0 : index
    %get3A_28 = vector.load %arg13[%get3A_26, %get3A_27] : memref<64x64xf32, #tpu.memory_space<vmem>>, vector<64x64xf32>
    %dot_general3A_29 = arith.constant dense<0.000000e+00> : vector<4000x64xf32>
    %dot_general3A_30 = tpu.matmul %div3A, %get3A_28, %dot_general3A_29 {dimension_numbers = #tpu.dot_dimension_numbers<[1], [0], [0], [1], [0, 0, 1, 1], [], []>, transpose_lhs_hint = false} : vector<4000x64xf32>, vector<64x64xf32>, vector<4000x64xf32> -> vector<4000x64xf32>
    %get3A_31 = arith.constant 0 : index
    %get3A_32 = arith.constant 0 : index
    %get3A_33 = vector.load %arg14[%get3A_31, %get3A_32] : memref<1x64xf32, #tpu.memory_space<vmem>>, vector<1x64xf32>
    %add3A_34 = vector.broadcast %get3A_33 : vector<1x64xf32> to vector<4000x64xf32>
    %add3A_35 = arith.addf %dot_general3A_30, %add3A_34 : vector<4000x64xf32>
    %get3A_36 = arith.constant 0 : index
    %get3A_37 = arith.constant 0 : index
    %get3A_38 = vector.load %arg15[%get3A_36, %get3A_37] : memref<64x64xf32, #tpu.memory_space<vmem>>, vector<64x64xf32>
    %dot_general3A_39 = arith.constant dense<0.000000e+00> : vector<4000x64xf32>
    %dot_general3A_40 = tpu.matmul %add3A_35, %get3A_38, %dot_general3A_39 {dimension_numbers = #tpu.dot_dimension_numbers<[1], [0], [0], [1], [0, 0, 1, 1], [], []>, transpose_lhs_hint = false} : vector<4000x64xf32>, vector<64x64xf32>, vector<4000x64xf32> -> vector<4000x64xf32>
    %get3A_41 = arith.constant 0 : index
    %get3A_42 = arith.constant 0 : index
    %get3A_43 = vector.load %arg16[%get3A_41, %get3A_42] : memref<1x64xf32, #tpu.memory_space<vmem>>, vector<1x64xf32>
    %add3A_44 = vector.broadcast %get3A_43 : vector<1x64xf32> to vector<4000x64xf32>
    %add3A_45 = arith.addf %dot_general3A_40, %add3A_44 : vector<4000x64xf32>
    %neg3A_46 = arith.constant 0.000000e+00 : f32
    %neg3A_47 = vector.broadcast %neg3A_46 : f32 to vector<4000x64xf32>
    %neg3A_48 = arith.subf %neg3A_47, %add3A_45 : vector<4000x64xf32>
    %exp3A_49 = math.exp %neg3A_48 : vector<4000x64xf32>
    %add3A_50 = arith.constant 1.000000e+00 : f32
    %add3A_51 = vector.broadcast %add3A_50 : f32 to vector<4000x64xf32>
    %add3A_52 = arith.addf %add3A_51, %exp3A_49 : vector<4000x64xf32>
    %div3A_53 = arith.divf %add3A_45, %add3A_52 : vector<4000x64xf32>
    %get3A_54 = arith.constant 0 : index
    %get3A_55 = arith.constant 0 : index
    %get3A_56 = vector.load %arg17[%get3A_54, %get3A_55] : memref<64x16xf32, #tpu.memory_space<vmem>>, vector<64x16xf32>
    %dot_general3A_57 = arith.constant dense<0.000000e+00> : vector<4000x16xf32>
    %dot_general3A_58 = tpu.matmul %div3A_53, %get3A_56, %dot_general3A_57 {dimension_numbers = #tpu.dot_dimension_numbers<[1], [0], [0], [1], [0, 0, 1, 1], [], []>, transpose_lhs_hint = false} : vector<4000x64xf32>, vector<64x16xf32>, vector<4000x16xf32> -> vector<4000x16xf32>
    %get3A_59 = arith.constant 0 : index
    %get3A_60 = arith.constant 0 : index
    %get3A_61 = vector.load %arg18[%get3A_59, %get3A_60] : memref<1x16xf32, #tpu.memory_space<vmem>>, vector<1x16xf32>
    %add3A_62 = vector.broadcast %get3A_61 : vector<1x16xf32> to vector<4000x16xf32>
    %add3A_63 = arith.addf %dot_general3A_58, %add3A_62 : vector<4000x16xf32>
    %jit3A = arith.constant -1.000000e+01 : f32
    %jit3A_64 = arith.constant 1.000000e+01 : f32
    %max3A = vector.broadcast %jit3A : f32 to vector<4000x16xf32>
    %max3A_65 = arith.maximumf %max3A, %add3A_63 : vector<4000x16xf32>
    %min3A = vector.broadcast %jit3A_64 : f32 to vector<4000x16xf32>
    %min3A_66 = arith.minimumf %min3A, %max3A_65 : vector<4000x16xf32>
    %get3A_67 = arith.constant 0 : index
    %get3A_68 = arith.constant 0 : index
    %get3A_69 = vector.load %arg19[%get3A_67, %get3A_68] : memref<64x64xf32, #tpu.memory_space<vmem>>, vector<64x64xf32>
    %dot_general3A_70 = arith.constant dense<0.000000e+00> : vector<4000x64xf32>
    %dot_general3A_71 = tpu.matmul %add3A_35, %get3A_69, %dot_general3A_70 {dimension_numbers = #tpu.dot_dimension_numbers<[1], [0], [0], [1], [0, 0, 1, 1], [], []>, transpose_lhs_hint = false} : vector<4000x64xf32>, vector<64x64xf32>, vector<4000x64xf32> -> vector<4000x64xf32>
    %get3A_72 = arith.constant 0 : index
    %get3A_73 = arith.constant 0 : index
    %get3A_74 = vector.load %arg20[%get3A_72, %get3A_73] : memref<1x64xf32, #tpu.memory_space<vmem>>, vector<1x64xf32>
    %add3A_75 = vector.broadcast %get3A_74 : vector<1x64xf32> to vector<4000x64xf32>
    %add3A_76 = arith.addf %dot_general3A_71, %add3A_75 : vector<4000x64xf32>
    %neg3A_77 = arith.constant 0.000000e+00 : f32
    %neg3A_78 = vector.broadcast %neg3A_77 : f32 to vector<4000x64xf32>
    %neg3A_79 = arith.subf %neg3A_78, %add3A_76 : vector<4000x64xf32>
    %exp3A_80 = math.exp %neg3A_79 : vector<4000x64xf32>
    %add3A_81 = arith.constant 1.000000e+00 : f32
    %add3A_82 = vector.broadcast %add3A_81 : f32 to vector<4000x64xf32>
    %add3A_83 = arith.addf %add3A_82, %exp3A_80 : vector<4000x64xf32>
    %div3A_84 = arith.divf %add3A_76, %add3A_83 : vector<4000x64xf32>
    %get3A_85 = arith.constant 0 : index
    %get3A_86 = arith.constant 0 : index
    %get3A_87 = vector.load %arg21[%get3A_85, %get3A_86] : memref<64x16xf32, #tpu.memory_space<vmem>>, vector<64x16xf32>
    %dot_general3A_88 = arith.constant dense<0.000000e+00> : vector<4000x16xf32>
    %dot_general3A_89 = tpu.matmul %div3A_84, %get3A_87, %dot_general3A_88 {dimension_numbers = #tpu.dot_dimension_numbers<[1], [0], [0], [1], [0, 0, 1, 1], [], []>, transpose_lhs_hint = false} : vector<4000x64xf32>, vector<64x16xf32>, vector<4000x16xf32> -> vector<4000x16xf32>
    %get3A_90 = arith.constant 0 : index
    %get3A_91 = arith.constant 0 : index
    %get3A_92 = vector.load %arg22[%get3A_90, %get3A_91] : memref<1x16xf32, #tpu.memory_space<vmem>>, vector<1x16xf32>
    %add3A_93 = vector.broadcast %get3A_92 : vector<1x16xf32> to vector<4000x16xf32>
    %add3A_94 = arith.addf %dot_general3A_89, %add3A_93 : vector<4000x16xf32>
    %jit3A_95 = arith.constant -1.000000e+01 : f32
    %jit3A_96 = arith.constant 1.000000e+01 : f32
    %max3A_97 = vector.broadcast %jit3A_95 : f32 to vector<4000x16xf32>
    %max3A_98 = arith.maximumf %max3A_97, %add3A_94 : vector<4000x16xf32>
    %min3A_99 = vector.broadcast %jit3A_96 : f32 to vector<4000x16xf32>
    %min3A_100 = arith.minimumf %min3A_99, %max3A_98 : vector<4000x16xf32>
    %add3A_101 = arith.constant 9.99999993E-9 : f32
    %add3A_102 = vector.broadcast %add3A_101 : f32 to vector<4000x16xf32>
    %add3A_103 = arith.addf %dot_general3A_12, %add3A_102 : vector<4000x16xf32>
    %sqrt3A = math.sqrt %add3A_103 : vector<4000x16xf32>
    %add3A_104 = arith.constant 1.000000e+00 : f32
    %add3A_105 = vector.broadcast %add3A_104 : f32 to vector<4000x16xf32>
    %add3A_106 = arith.addf %add3A_105, %sqrt3A : vector<4000x16xf32>
    %div3A_107 = arith.constant 1.000000e+00 : f32
    %div3A_108 = vector.broadcast %div3A_107 : f32 to vector<4000x16xf32>
    %div3A_109 = arith.divf %div3A_108, %add3A_106 : vector<4000x16xf32>
    %dot_general3A_110 = arith.constant dense<0.000000e+00> : vector<4000x48xf32>
    %dot_general3A_111 = tpu.matmul %div3A_109, %get3A_10, %dot_general3A_110 {dimension_numbers = #tpu.dot_dimension_numbers<[1], [0], [0], [1], [0, 0, 1, 1], [], []>, transpose_lhs_hint = false} : vector<4000x16xf32>, vector<16x48xf32>, vector<4000x48xf32> -> vector<4000x48xf32>
    %get3A_112 = arith.constant 0 : index
    %get3A_113 = arith.constant 0 : index
    %get3A_114 = vector.load %arg5[%get3A_112, %get3A_113] : memref<256x64xf32, #tpu.memory_space<vmem>>, vector<256x64xf32>
    %slice3A_115 = vector.extract_strided_slice %get3A_114 {offsets = [0, 48], sizes = [256, 16], strides = [1, 1]} : vector<256x64xf32> to vector<256x16xf32>
    %max3A_116 = arith.constant 1.000000e+00 : f32
    %max3A_117 = vector.broadcast %max3A_116 : f32 to vector<256x16xf32>
    %max3A_118 = arith.maximumf %slice3A_115, %max3A_117 : vector<256x16xf32>
    %concatenate3A = tpu.concatenate %max3A_118, %max3A_118, %max3A_118 in 1 : vector<256x16xf32>, vector<256x16xf32>, vector<256x16xf32> -> vector<256x48xf32>
    %get3A_119 = arith.constant 0 : index
    %get3A_120 = arith.constant 0 : index
    %get3A_121 = vector.load %arg6[%get3A_119, %get3A_120] : memref<256x48xf32, #tpu.memory_space<vmem>>, vector<256x48xf32>
    %div3A_122 = arith.divf %get3A_121, %concatenate3A : vector<256x48xf32>
    %get3A_123 = arith.constant 0 : index
    %get3A_124 = arith.constant 0 : index
    %get3A_125 = arith.constant 0 : index
    %get3A_126 = vector.load %arg1[%get3A_123, %get3A_124, %get3A_125] : memref<1x1x4000xi32, #tpu.memory_space<vmem>>, vector<1x1x4000xi32>
    %get3A_127 = vector.shape_cast %get3A_126 : vector<1x1x4000xi32> to vector<4000xi32>
    %broadcast_in_dim3A = vector.shape_cast %get3A_127 : vector<4000xi32> to vector<4000x1xi32>
    %iota3A = tpu.iota {dimensions = array<i32: 1>} : vector<4000x256xi32>
    %eq3A = vector.broadcast %broadcast_in_dim3A : vector<4000x1xi32> to vector<4000x256xi32>
    %eq3A_128 = arith.cmpi eq, %eq3A, %iota3A : vector<4000x256xi32>
    %convert_element_type3A = arith.extui %eq3A_128 : vector<4000x256xi1> to vector<4000x256xi32>
    %convert_element_type3A_129 = arith.sitofp %convert_element_type3A : vector<4000x256xi32> to vector<4000x256xf32>
    %get3A_130 = arith.constant 0 : index
    %get3A_131 = arith.constant 0 : index
    %get3A_132 = arith.constant 0 : index
    %get3A_133 = vector.load %arg2[%get3A_130, %get3A_131, %get3A_132] : memref<1x1x4000xi32, #tpu.memory_space<vmem>>, vector<1x1x4000xi32>
    %get3A_134 = vector.shape_cast %get3A_133 : vector<1x1x4000xi32> to vector<4000xi32>
    %broadcast_in_dim3A_135 = vector.shape_cast %get3A_134 : vector<4000xi32> to vector<4000x1xi32>
    %iota3A_136 = tpu.iota {dimensions = array<i32: 1>} : vector<4000x256xi32>
    %eq3A_137 = vector.broadcast %broadcast_in_dim3A_135 : vector<4000x1xi32> to vector<4000x256xi32>
    %eq3A_138 = arith.cmpi eq, %eq3A_137, %iota3A_136 : vector<4000x256xi32>
    %convert_element_type3A_139 = arith.extui %eq3A_138 : vector<4000x256xi1> to vector<4000x256xi32>
    %convert_element_type3A_140 = arith.sitofp %convert_element_type3A_139 : vector<4000x256xi32> to vector<4000x256xf32>
    %dot_general3A_141 = arith.constant dense<0.000000e+00> : vector<4000x48xf32>
    %dot_general3A_142 = tpu.matmul %convert_element_type3A_129, %div3A_122, %dot_general3A_141 {dimension_numbers = #tpu.dot_dimension_numbers<[1], [0], [0], [1], [0, 0, 1, 1], [], []>, transpose_lhs_hint = false} : vector<4000x256xf32>, vector<256x48xf32>, vector<4000x48xf32> -> vector<4000x48xf32>
    %sub3A_143 = arith.subf %slice3A, %dot_general3A_142 : vector<4000x48xf32>
    %dot_general3A_144 = arith.constant dense<0.000000e+00> : vector<4000x48xf32>
    %dot_general3A_145 = tpu.matmul %convert_element_type3A_140, %div3A_122, %dot_general3A_144 {dimension_numbers = #tpu.dot_dimension_numbers<[1], [0], [0], [1], [0, 0, 1, 1], [], []>, transpose_lhs_hint = false} : vector<4000x256xf32>, vector<256x48xf32>, vector<4000x48xf32> -> vector<4000x48xf32>
    %sub3A_146 = arith.subf %slice3A_11, %dot_general3A_145 : vector<4000x48xf32>
    %get3A_147 = arith.constant 0 : index
    %get3A_148 = arith.constant 0 : index
    %get3A_149 = vector.load %arg9[%get3A_147, %get3A_148] : memref<48x48xf32, #tpu.memory_space<vmem>>, vector<48x48xf32>
    %get3A_150 = arith.constant 0 : index
    %get3A_151 = arith.constant 0 : index
    %get3A_152 = vector.load %arg10[%get3A_150, %get3A_151] : memref<48x48xf32, #tpu.memory_space<vmem>>, vector<48x48xf32>
    %dot_general3A_153 = arith.constant dense<0.000000e+00> : vector<4000x48xf32>
    %dot_general3A_154 = tpu.matmul %sub3A_143, %get3A_149, %dot_general3A_153 {dimension_numbers = #tpu.dot_dimension_numbers<[1], [0], [0], [1], [0, 0, 1, 1], [], []>, transpose_lhs_hint = false} : vector<4000x48xf32>, vector<48x48xf32>, vector<4000x48xf32> -> vector<4000x48xf32>
    %dot_general3A_155 = arith.constant dense<0.000000e+00> : vector<4000x48xf32>
    %dot_general3A_156 = tpu.matmul %sub3A_146, %get3A_152, %dot_general3A_155 {dimension_numbers = #tpu.dot_dimension_numbers<[1], [0], [0], [1], [0, 0, 1, 1], [], []>, transpose_lhs_hint = false} : vector<4000x48xf32>, vector<48x48xf32>, vector<4000x48xf32> -> vector<4000x48xf32>
    %mul3A_157 = arith.mulf %dot_general3A_154, %dot_general3A_156 : vector<4000x48xf32>
    %dot_general3A_158 = arith.constant dense<0.000000e+00> : vector<4000x48xf32>
    %dot_general3A_159 = tpu.matmul %sub3A_143, %get3A_152, %dot_general3A_158 {dimension_numbers = #tpu.dot_dimension_numbers<[1], [0], [0], [1], [0, 0, 1, 1], [], []>, transpose_lhs_hint = false} : vector<4000x48xf32>, vector<48x48xf32>, vector<4000x48xf32> -> vector<4000x48xf32>
    %dot_general3A_160 = arith.constant dense<0.000000e+00> : vector<4000x48xf32>
    %dot_general3A_161 = tpu.matmul %sub3A_146, %get3A_149, %dot_general3A_160 {dimension_numbers = #tpu.dot_dimension_numbers<[1], [0], [0], [1], [0, 0, 1, 1], [], []>, transpose_lhs_hint = false} : vector<4000x48xf32>, vector<48x48xf32>, vector<4000x48xf32> -> vector<4000x48xf32>
    %mul3A_162 = arith.mulf %dot_general3A_159, %dot_general3A_161 : vector<4000x48xf32>
    %sub3A_163 = arith.subf %mul3A_157, %mul3A_162 : vector<4000x48xf32>
    %mul3A_164 = arith.mulf %sub3A_163, %sub3A_163 : vector<4000x48xf32>
    %dot_general3A_165 = arith.constant dense<0.000000e+00> : vector<4000x16xf32>
    %dot_general3A_166 = tpu.matmul %mul3A_164, %get3A_7, %dot_general3A_165 {dimension_numbers = #tpu.dot_dimension_numbers<[1], [0], [0], [1], [0, 0, 1, 1], [], []>, transpose_lhs_hint = false} : vector<4000x48xf32>, vector<48x16xf32>, vector<4000x16xf32> -> vector<4000x16xf32>
    %sqrt3A_167 = math.sqrt %dot_general3A_166 : vector<4000x16xf32>
    %add3A_168 = arith.constant 1.000000e+00 : f32
    %add3A_169 = vector.broadcast %add3A_168 : f32 to vector<4000x16xf32>
    %add3A_170 = arith.addf %add3A_169, %sqrt3A_167 : vector<4000x16xf32>
    %div3A_171 = arith.constant 1.000000e+00 : f32
    %div3A_172 = vector.broadcast %div3A_171 : f32 to vector<4000x16xf32>
    %div3A_173 = arith.divf %div3A_172, %add3A_170 : vector<4000x16xf32>
    %dot_general3A_174 = arith.constant dense<0.000000e+00> : vector<4000x48xf32>
    %dot_general3A_175 = tpu.matmul %div3A_173, %get3A_10, %dot_general3A_174 {dimension_numbers = #tpu.dot_dimension_numbers<[1], [0], [0], [1], [0, 0, 1, 1], [], []>, transpose_lhs_hint = false} : vector<4000x16xf32>, vector<16x48xf32>, vector<4000x48xf32> -> vector<4000x48xf32>
    %mul3A_176 = arith.mulf %sub3A, %dot_general3A_111 : vector<4000x48xf32>
    %dot_general3A_177 = arith.constant dense<0.000000e+00> : vector<4000x48xf32>
    %dot_general3A_178 = tpu.matmul %min3A_66, %get3A_10, %dot_general3A_177 {dimension_numbers = #tpu.dot_dimension_numbers<[1], [0], [0], [1], [0, 0, 1, 1], [], []>, transpose_lhs_hint = false} : vector<4000x16xf32>, vector<16x48xf32>, vector<4000x48xf32> -> vector<4000x48xf32>
    %mul3A_179 = arith.mulf %mul3A_176, %dot_general3A_178 : vector<4000x48xf32>
    %mul3A_180 = arith.mulf %sub3A_163, %dot_general3A_175 : vector<4000x48xf32>
    %dot_general3A_181 = arith.constant dense<0.000000e+00> : vector<4000x48xf32>
    %dot_general3A_182 = tpu.matmul %min3A_100, %get3A_10, %dot_general3A_181 {dimension_numbers = #tpu.dot_dimension_numbers<[1], [0], [0], [1], [0, 0, 1, 1], [], []>, transpose_lhs_hint = false} : vector<4000x16xf32>, vector<16x48xf32>, vector<4000x48xf32> -> vector<4000x48xf32>
    %mul3A_183 = arith.mulf %mul3A_180, %dot_general3A_182 : vector<4000x48xf32>
    %add3A_184 = arith.addf %mul3A_179, %mul3A_183 : vector<4000x48xf32>
    %get3A_185 = arith.constant 0 : index
    %get3A_186 = arith.constant 0 : index
    %get3A_187 = arith.constant 0 : index
    %get3A_188 = vector.load %arg2[%get3A_185, %get3A_186, %get3A_187] : memref<1x1x4000xi32, #tpu.memory_space<vmem>>, vector<1x1x4000xi32>
    %get3A_189 = vector.shape_cast %get3A_188 : vector<1x1x4000xi32> to vector<4000xi32>
    %jit3A_190 = arith.constant 2 : i32
    %eq3A_191 = arith.constant 0 : i32
    %eq3A_192 = arith.cmpi eq, %jit3A_190, %eq3A_191 : i32
    %jit3A_193 = arith.constant 1 : i32
    %select_n3A = arith.select %eq3A_192, %jit3A_193, %jit3A_190 : i32
    %rem3A = vector.broadcast %select_n3A : i32 to vector<4000xi32>
    %rem3A_194 = arith.remsi %get3A_189, %rem3A : vector<4000xi32>
    %ne3A = arith.constant 0 : i32
    %ne3A_195 = vector.broadcast %ne3A : i32 to vector<4000xi32>
    %ne3A_196 = arith.cmpi ne, %rem3A_194, %ne3A_195 : vector<4000xi32>
    %lt3A = arith.constant 0 : i32
    %lt3A_197 = vector.broadcast %lt3A : i32 to vector<4000xi32>
    %lt3A_198 = arith.cmpi slt, %rem3A_194, %lt3A_197 : vector<4000xi32>
    %lt3A_199 = arith.constant 0 : i32
    %lt3A_200 = arith.cmpi slt, %select_n3A, %lt3A_199 : i32
    %ne3A_201 = vector.broadcast %lt3A_200 : i1 to vector<4000xi1>
    %ne3A_202 = vector.broadcast %ne3A_201 : vector<4000xi1> to vector<4000xi1>
    %ne3A_203 = arith.xori %lt3A_198, %ne3A_202 : vector<4000xi1>
    %and3A = arith.andi %ne3A_203, %ne3A_196 : vector<4000xi1>
    %add3A_204 = vector.broadcast %select_n3A : i32 to vector<4000xi32>
    %add3A_205 = arith.addi %rem3A_194, %add3A_204 : vector<4000xi32>
    %select_n3A_206 = arith.select %and3A, %add3A_205, %rem3A_194 : vector<4000xi1>, vector<4000xi32>
    %convert_element_type3A_207 = arith.sitofp %select_n3A_206 : vector<4000xi32> to vector<4000xf32>
    %broadcast_in_dim3A_208 = vector.shape_cast %convert_element_type3A_207 : vector<4000xf32> to vector<4000x1xf32>
    %get3A_209 = arith.constant 0 : index
    %get3A_210 = arith.constant 0 : index
    %get3A_211 = vector.load %arg11[%get3A_209, %get3A_210] : memref<48x256xf32, #tpu.memory_space<vmem>>, vector<48x256xf32>
    %sub3A_212 = arith.constant 1.000000e+00 : f32
    %sub3A_213 = vector.broadcast %sub3A_212 : f32 to vector<4000x1xf32>
    %sub3A_214 = arith.subf %sub3A_213, %broadcast_in_dim3A_208 : vector<4000x1xf32>
    %mul3A_215 = vector.broadcast %sub3A_214 : vector<4000x1xf32> to vector<4000x48xf32>
    %mul3A_216 = arith.mulf %add3A_184, %mul3A_215 : vector<4000x48xf32>
    %slice3A_217 = vector.extract_strided_slice %get3A_211 {offsets = [0, 0], sizes = [48, 128], strides = [1, 1]} : vector<48x256xf32> to vector<48x128xf32>
    %dot_general3A_218 = arith.constant dense<0.000000e+00> : vector<4000x128xf32>
    %dot_general3A_219 = tpu.matmul %mul3A_216, %slice3A_217, %dot_general3A_218 {dimension_numbers = #tpu.dot_dimension_numbers<[1], [0], [0], [1], [0, 0, 1, 1], [], []>, transpose_lhs_hint = false} : vector<4000x48xf32>, vector<48x128xf32>, vector<4000x128xf32> -> vector<4000x128xf32>
    %mul3A_220 = vector.broadcast %broadcast_in_dim3A_208 : vector<4000x1xf32> to vector<4000x48xf32>
    %mul3A_221 = arith.mulf %add3A_184, %mul3A_220 : vector<4000x48xf32>
    %slice3A_222 = vector.extract_strided_slice %get3A_211 {offsets = [0, 128], sizes = [48, 128], strides = [1, 1]} : vector<48x256xf32> to vector<48x128xf32>
    %dot_general3A_223 = arith.constant dense<0.000000e+00> : vector<4000x128xf32>
    %dot_general3A_224 = tpu.matmul %mul3A_221, %slice3A_222, %dot_general3A_223 {dimension_numbers = #tpu.dot_dimension_numbers<[1], [0], [0], [1], [0, 0, 1, 1], [], []>, transpose_lhs_hint = false} : vector<4000x48xf32>, vector<48x128xf32>, vector<4000x128xf32> -> vector<4000x128xf32>
    %add3A_225 = arith.addf %dot_general3A_219, %dot_general3A_224 : vector<4000x128xf32>
    %swap3A = arith.constant 0 : index
    %swap3A_226 = arith.constant 0 : index
    %swap3A_227 = vector.load %arg23[%swap3A, %swap3A_226] : memref<4000x128xf32, #tpu.memory_space<vmem>>, vector<4000x128xf32>
    tpu.vector_store %arg23[%swap3A, %swap3A_226], %add3A_225 {strides = array<i32>} : memref<4000x128xf32, #tpu.memory_space<vmem>>, vector<4000x128xf32>,
    return
  }
  func.func @transform_0(%arg0: i32) -> (i32, i32, i32) {
    %c0_i32 = arith.constant 0 : i32
    %c0_i32_0 = arith.constant 0 : i32
    %c0_i32_1 = arith.constant 0 : i32
    return %arg0, %c0_i32, %c0_i32_0 : i32, i32, i32
  }
  func.func @transform_1(%arg0: i32) -> (i32, i32, i32) {
    %c0_i32 = arith.constant 0 : i32
    %c0_i32_0 = arith.constant 0 : i32
    %c0_i32_1 = arith.constant 0 : i32
    return %arg0, %c0_i32, %c0_i32_0 : i32, i32, i32
  }
  func.func @transform_2(%arg0: i32) -> (i32, i32) {
    %c0_i32 = arith.constant 0 : i32
    %c0_i32_0 = arith.constant 0 : i32
    return %arg0, %c0_i32 : i32, i32
  }
  func.func @transform_3(%arg0: i32) -> (i32, i32) {
    %c0_i32 = arith.constant 0 : i32
    %c0_i32_0 = arith.constant 0 : i32
    return %arg0, %c0_i32 : i32, i32
  }
  func.func @transform_4(%arg0: i32) -> (i32, i32) {
    %c0_i32 = arith.constant 0 : i32
    %c0_i32_0 = arith.constant 0 : i32
    %c0_i32_1 = arith.constant 0 : i32
    return %c0_i32, %c0_i32_0 : i32, i32
  }
  func.func @transform_5(%arg0: i32) -> (i32, i32) {
    %c0_i32 = arith.constant 0 : i32
    %c0_i32_0 = arith.constant 0 : i32
    %c0_i32_1 = arith.constant 0 : i32
    return %c0_i32, %c0_i32_0 : i32, i32
  }
  func.func @transform_6(%arg0: i32) -> (i32, i32) {
    %c0_i32 = arith.constant 0 : i32
    %c0_i32_0 = arith.constant 0 : i32
    %c0_i32_1 = arith.constant 0 : i32
    return %c0_i32, %c0_i32_0 : i32, i32
  }
  func.func @transform_7(%arg0: i32) -> (i32, i32) {
    %c0_i32 = arith.constant 0 : i32
    %c0_i32_0 = arith.constant 0 : i32
    %c0_i32_1 = arith.constant 0 : i32
    return %c0_i32, %c0_i32_0 : i32, i32
  }
  func.func @transform_8(%arg0: i32) -> (i32, i32) {
    %c0_i32 = arith.constant 0 : i32
    %c0_i32_0 = arith.constant 0 : i32
    %c0_i32_1 = arith.constant 0 : i32
    return %c0_i32, %c0_i32_0 : i32, i32
  }
  func.func @transform_9(%arg0: i32) -> (i32, i32) {
    %c0_i32 = arith.constant 0 : i32
    %c0_i32_0 = arith.constant 0 : i32
    %c0_i32_1 = arith.constant 0 : i32
    return %c0_i32, %c0_i32_0 : i32, i32
  }
  func.func @transform_10(%arg0: i32) -> (i32, i32) {
    %c0_i32 = arith.constant 0 : i32
    %c0_i32_0 = arith.constant 0 : i32
    %c0_i32_1 = arith.constant 0 : i32
    return %c0_i32, %c0_i32_0 : i32, i32
  }
  func.func @transform_11(%arg0: i32) -> (i32, i32) {
    %c0_i32 = arith.constant 0 : i32
    %c0_i32_0 = arith.constant 0 : i32
    %c0_i32_1 = arith.constant 0 : i32
    return %c0_i32, %c0_i32_0 : i32, i32
  }
  func.func @transform_12(%arg0: i32) -> (i32, i32) {
    %c0_i32 = arith.constant 0 : i32
    %c0_i32_0 = arith.constant 0 : i32
    %c0_i32_1 = arith.constant 0 : i32
    return %c0_i32, %c0_i32_0 : i32, i32
  }
  func.func @transform_13(%arg0: i32) -> (i32, i32) {
    %c0_i32 = arith.constant 0 : i32
    %c0_i32_0 = arith.constant 0 : i32
    %c0_i32_1 = arith.constant 0 : i32
    return %c0_i32, %c0_i32_0 : i32, i32
  }
  func.func @transform_14(%arg0: i32) -> (i32, i32) {
    %c0_i32 = arith.constant 0 : i32
    %c0_i32_0 = arith.constant 0 : i32
    %c0_i32_1 = arith.constant 0 : i32
    return %c0_i32, %c0_i32_0 : i32, i32
  }
  func.func @transform_15(%arg0: i32) -> (i32, i32) {
    %c0_i32 = arith.constant 0 : i32
    %c0_i32_0 = arith.constant 0 : i32
    %c0_i32_1 = arith.constant 0 : i32
    return %c0_i32, %c0_i32_0 : i32, i32
  }
  func.func @transform_16(%arg0: i32) -> (i32, i32) {
    %c0_i32 = arith.constant 0 : i32
    %c0_i32_0 = arith.constant 0 : i32
    %c0_i32_1 = arith.constant 0 : i32
    return %c0_i32, %c0_i32_0 : i32, i32
  }
  func.func @transform_17(%arg0: i32) -> (i32, i32) {
    %c0_i32 = arith.constant 0 : i32
    %c0_i32_0 = arith.constant 0 : i32
    %c0_i32_1 = arith.constant 0 : i32
    return %c0_i32, %c0_i32_0 : i32, i32
  }
  func.func @transform_18(%arg0: i32) -> (i32, i32) {
    %c0_i32 = arith.constant 0 : i32
    %c0_i32_0 = arith.constant 0 : i32
    %c0_i32_1 = arith.constant 0 : i32
    return %c0_i32, %c0_i32_0 : i32, i32
  }
  func.func @transform_19(%arg0: i32) -> (i32, i32) {
    %c0_i32 = arith.constant 0 : i32
    %c0_i32_0 = arith.constant 0 : i32
    %c0_i32_1 = arith.constant 0 : i32
    return %c0_i32, %c0_i32_0 : i32, i32
  }
  func.func @transform_20(%arg0: i32) -> (i32, i32) {
    %c0_i32 = arith.constant 0 : i32
    %c0_i32_0 = arith.constant 0 : i32
    %c0_i32_1 = arith.constant 0 : i32
    return %c0_i32, %c0_i32_0 : i32, i32
  }
  func.func @transform_21(%arg0: i32) -> (i32, i32) {
    %c0_i32 = arith.constant 0 : i32
    %c0_i32_0 = arith.constant 0 : i32
    %c0_i32_1 = arith.constant 0 : i32
    return %c0_i32, %c0_i32_0 : i32, i32
  }
  func.func @transform_22(%arg0: i32) -> (i32, i32) {
    %c0_i32 = arith.constant 0 : i32
    %c0_i32_0 = arith.constant 0 : i32
    return %arg0, %c0_i32 : i32, i32
  }
}

</mosaic_0001>

<sc_bundles>
// kernel: kernel.11.cloned.1.call-start
scs
__scs_entry_jumppad:
0x0: {  	(pc) =	sbr.rel $0x88, $3  }
0x1: {  	(tag) =	ssettag $0x0;
	lr =	simm.s32 $0x1  }
0x2: {  	[smem:$0x3F8D] =	sst lr;
	_ =	strace $0xD0000000  }
0x3: {  	_ = 	snop  }
0x4: {  	_ = 	snop  }
0x5: {  	_ = 	snop  }
0x6: {  	_ = 	snop  }
0x7: {  	_ = 	snop  }
__scs_overlays_trampoline_lowered:
0x8: {  	[smem:$0x3F9C] =	sst s0  }
0x9: {  	[smem:$0x3F9D] =	sst s1  }
0xa: {  	[smem:$0x3F9E] =	sst s2  }
0xb: {  	[smem:$0x3F9F] =	sst s3  }
0xc: {  	[smem:$0x3FA0] =	sst s4  }
0xd: {  	[smem:$0x3FA1] =	sst s5  }
0xe: {  	[smem:$0x3FA2] =	sst s6  }
0xf: {  	[smem:$0x3FA3] =	sst s7  }
0x10: {  	[smem:$0x3FA4] =	sst s8  }
0x11: {  	[smem:$0x3FA5] =	sst s9;
	s0 =	simm.s32 @!p0 $0x0  }
0x12: {  	s1 =	sld [smem:$0x3F8B];
	s0 =	simm.s32 @p0 $0x1  }
0x13: {  	[smem:$0x3FA6] =	sst s0;
	s0 =	simm.s32 @!p1 $0x0  }
0x14: {  	s2 =	sld [smem:$0x3F8A];
	s0 =	simm.s32 @p1 $0x1  }
0x15: {  	[smem:$0x3FA7] =	sst s0;
	s0 =	simm.s32 @!p2 $0x0  }
0x16: {  	s3 =	sld [smem:$0x3FDB];
	s0 =	simm.s32 @p2 $0x1  }
0x17: {  	s4 =	simm.s32 $0x1BF5;
	[smem:$0x3FA9] =	sst s0  }
0x18: {  	s0 =	sld [smem:$0x3F8C];
	_ =	swait.ge [sflag:s4], $0x0  }
0x19: {  	s7 =	sld [smem:$0x3F8D]  }
0x1a: {  	s8 =	sadd.s32 $0xFFFFE003, lr  }
0x1b: {  	s9 =	sadd.s32 $0xFFFFFEF7, lr;
	s5 =	simm.s32 $0xFFFFFFFF;
	p2 =	slt.u32 s8, $0xFFFFF086  }
0x1c: {  	p1 =	slt.u32 s9, $0xF7A;
	s5 =	simm.s32 @!p2 $0x0  }
0x1d: {  	s5 =	simm.s32 @p1 $0x1;
	p0 =	seq.s32 s7, s2  }
0x1e: {  	s7 =	smul.u32 @!p0 $0xF7A, s2;
	p2 =	seq.s32 @!p0 s5, $0x0  }
0x1f: {  	s9 =	smul.u32 $0xF7A, s1;
	s8 =	simm.s32 @!p0 $0x1BF5;
	p2 =	por !p2, p0  }
0x20: {  	[sflag:s8] =	ssyncset.s32 @!p0 $0xFFFFF086;
	s6 =	sadd.s32 @!p0 s3, s7;
	s7 =	simm.s32 @!p0 $0x108  }
0x21: {  	s3 =	sadd.s32 s3, s9;
	s6 =	sadd.s32 @!p0 $0x88, s6;
	s7 =	simm.s32 @p2 $0x1082  }
0x22: {  	[simem:s7], [sflag:s8] =	dma.local @!p0 [hbm:s6], $0xF7A  }
0x23: {  	s9 =	sor.u32 $0xD0000000, s2;
	s6 =	simm.s32 $0x108;
	_ =	swait.ge @!p0 [sflag:s8], $0x0  }
0x24: {  	s3 =	sadd.s32 $0x88, s3;
	s6 =	simm.s32 @!p1 $0x1082;
	[sflag:s4] =	ssyncset.s32 $0xFFFFF086  }
0x25: {  	[simem:s6], [sflag:s4] =	dma.local [hbm:s3], $0xF7A  }
0x26: {  	[smem:$0x3F8D] =	sst s1;
	(tag) =	ssettag s2;
	_ =	strace s9  }
0x27: {  	s1 =	sld [smem:$0x3F9D]  }
0x28: {  	s2 =	sld [smem:$0x3F9E]  }
0x29: {  	s4 =	sld [smem:$0x3FA0]  }
0x2a: {  	p0 =	seq.s32 s5, $0x0;
	s5 =	sld [smem:$0x3FA1]  }
0x2b: {  	s6 =	sld [smem:$0x3FA2]  }
0x2c: {  	s7 =	sld [smem:$0x3FA3]  }
0x2d: {  	s3 =	simm.s32 $0x108;
	s8 =	sld [smem:$0x3FA4]  }
0x2e: {  	s3 =	simm.s32 @!p0 $0x1082;
	s9 =	sld [smem:$0x3FA5]  }
0x2f: {  	lr =	sadd.s32 s0, s3;
	s0 =	sld [smem:$0x3F9C]  }
0x30: {  	s3 =	sld [smem:$0x3F9F]  }
0x31: {  	[smem:$0x3FA8] =	sst s10  }
0x32: {  	s10 =	sld [smem:$0x3FA6];
	_ =	sdelay $0x3  }
0x33: {  	p0 =	seq.s32 s10, $0x1;
	s10 =	sld [smem:$0x3FA8];
	_ =	sdelay $0x3  }
0x34: {  	[smem:$0x3FA8] =	sst s10  }
0x35: {  	s10 =	sld [smem:$0x3FA7];
	_ =	sdelay $0x3  }
0x36: {  	p1 =	seq.s32 s10, $0x1;
	s10 =	sld [smem:$0x3FA8];
	_ =	sdelay $0x3  }
0x37: {  	[smem:$0x3FA8] =	sst s10  }
0x38: {  	s10 =	sld [smem:$0x3FA9]  }
0x39: {  	_ = 	snop;
	(pc) =	sbr.ind lr, $3  }
0x3a: {  	_ = 	snop  }
0x3b: {  	_ = 	snop  }
0x3c: {  	p2 =	seq.s32 s10, $0x1;
	s10 =	sld [smem:$0x3FA8]  }
0x3d: {  	_ =	shalt  }
0x3e: {  	_ =	shalt  }
0x3f: {  	_ =	shalt  }
0x40: {  	_ =	shalt  }
0x41: {  	_ =	shalt  }
0x42: {  	_ =	shalt  }
0x43: {  	_ =	shalt  }
0x44: {  	_ =	shalt  }
0x45: {  	_ =	shalt  }
0x46: {  	_ =	shalt  }
0x47: {  	_ =	shalt  }
0x48: {  	_ =	shalt  }
0x49: {  	_ =	shalt  }
0x4a: {  	_ =	shalt  }
0x4b: {  	_ =	shalt  }
0x4c: {  	_ =	shalt  }
0x4d: {  	_ =	shalt  }
0x4e: {  	_ =	shalt  }
0x4f: {  	_ =	shalt  }
0x50: {  	_ =	shalt  }
0x51: {  	_ =	shalt  }
0x52: {  	_ =	shalt  }
0x53: {  	_ =	shalt  }
0x54: {  	_ =	shalt  }
0x55: {  	_ =	shalt  }
0x56: {  	_ =	shalt  }
0x57: {  	_ =	shalt  }
0x58: {  	_ =	shalt  }
0x59: {  	_ =	shalt  }
0x5a: {  	_ =	shalt  }
0x5b: {  	_ =	shalt  }
0x5c: {  	_ =	shalt  }
0x5d: {  	_ =	shalt  }
0x5e: {  	_ =	shalt  }
0x5f: {  	_ =	shalt  }
0x60: {  	_ =	shalt  }
0x61: {  	_ =	shalt  }
0x62: {  	_ =	shalt  }
0x63: {  	_ =	shalt  }
0x64: {  	_ =	shalt  }
0x65: {  	_ =	shalt  }
0x66: {  	_ =	shalt  }
0x67: {  	_ =	shalt  }
0x68: {  	_ =	shalt  }
0x69: {  	_ =	shalt  }
0x6a: {  	_ =	shalt  }
0x6b: {  	_ =	shalt  }
0x6c: {  	_ =	shalt  }
0x6d: {  	_ =	shalt  }
0x6e: {  	_ =	shalt  }
0x6f: {  	_ =	shalt  }
0x70: {  	_ =	shalt  }
0x71: {  	_ =	shalt  }
0x72: {  	_ =	shalt  }
0x73: {  	_ =	shalt  }
0x74: {  	_ =	shalt  }
0x75: {  	_ =	shalt  }
0x76: {  	_ =	shalt  }
0x77: {  	_ =	shalt  }
0x78: {  	_ =	shalt  }
0x79: {  	_ =	shalt  }
0x7a: {  	_ =	shalt  }
0x7b: {  	_ =	shalt  }
0x7c: {  	_ =	shalt  }
0x7d: {  	_ =	shalt  }
0x7e: {  	_ =	shalt  }
0x7f: {  	_ =	shalt  }
0x80: {  	_ =	shalt  }
0x81: {  	_ =	shalt  }
0x82: {  	_ =	shalt  }
0x83: {  	_ =	shalt  }
0x84: {  	_ =	shalt  }
0x85: {  	_ =	shalt  }
0x86: {  	_ =	shalt  }
0x87: {  	_ =	shalt  }
.Lfunc_end0:
.L_simem_size_0:
called_computation.1_lowered:
.L_overlay_start_0:
0x88: {  	s2 =	sld [smem:$0x3FD9]  }
0x89: {  	s3 =	sld [smem:$0x3FFE];
	_ =	sdelay $0x1  }
0x8a: {  	s1 =	srdreg.scid  }
0x8b: {  	s0 =	sand.u32 $0x1, s1  }
0x8c: {  	s17 =	sshll.u32 s0, $0xA;
	s2 =	sadd.s32 s3, s2  }
0x8d: {  	s2 =	sadd.s32 s2, s17  }
0x8e: {  	[smem:$0x3FB4] =	sst s2  }
0x8f: {  	_ = 	snop  }
0x90: {  	s2 =	sld [smem:$0x3FD0];
	(tm) =	ssettm $0x1  }
0x91: {  	s18 =	sld [smem:$0x3FFB];
	_ =	sdelay $0x3  }
0x92: {  	_ =	strace s18  }
0x93: {  	s3 =	sld [smem:$0x3FFC];
	_ =	sdelay $0x3  }
0x94: {  	_ =	strace s3  }
0x95: {  	s3 =	sld [smem:$0x3FFD];
	_ =	sdelay $0x3  }
0x96: {  	_ =	strace s3  }
0x97: {  	_ =	strace $0x8FFFFFFF  }
0x98: {  	s19 =	sld [smem:$0x3FDB];
	_ =	sdelay $0x1  }
0x99: {  	s4 =	simm.s32 $_scs_section_size  }
0x9a: {  	s5 =	simm.s32 $_size__tile_overlayer_lowered;
	s6 =	simm.s32 $_tile_overlayer_lowered  }
0x9b: {  	s22 =	simm.s32 $0x1BFF;
	s21 =	sshll.u32 s6, $0x1;
	s3 =	sadd.s32 s4, s19  }
0x9c: {  	s7 =	simm.s32 $0x0;
	s20 =	sshll.u32 s5, $0x1;
	s5 =	sadd.s32 s21, s3  }
0x9d: {  	[timem:s7], [sflag:s22] =	dma.local [hbm:s5], s20  }
0x9e: {  	_ =	swait.ge [sflag:s22], s20  }
0x9f: {  	s4 =	ssub.s32 $0x0, s20;
	[sflag:s22] =	ssyncset.done $0x0  }
0xa0: {  	[sflag:s22] =	ssyncadd.s32 s4;
	_ =	sdelay $0x1  }
0xa1: {  	s23 =	simm.s32 $0x1B8B  }
0xa2: {  	_ =	swait.ge [sflag:s23], $0x1  }
0xa3: {  	[sflag:s23] =	ssyncset.done $0x0  }
0xa4: {  	s25 =	simm.s32 $0x1B8E;
	s24 =	sld [smem:$0x3FFE];
	[sflag:s23] =	ssyncadd.s32 $0xFFFFFFFF  }
0xa5: {  	s26 =	simm.s32 $execute0_lowered;
	[smem:$0x3FD2] =	sst s25  }
0xa6: {  	s5 =	sshll.u32 s26, $0x1;
	_ =	strace $0x80000049;
	[dreg:$0x1] =	wrdreg $0xFFFFFFFF  }
0xa7: {  	s28 =	simm.s32 $_size_execute0_lowered;
	s3 =	sadd.s32 s3, s5;
	[dreg:$0x0] =	wrdreg $0x0  }
0xa8: {  	s5 =	sshll.u32 s28, $0x1;
	[dreg:$0x2] =	wrdreg s3  }
0xa9: {  	[dreg:$0x3] =	wrdreg s5  }
0xaa: {  	[dreg:$0x4] =	wrdreg $0xC0  }
0xab: {  	_ =	task [dreg:s7], $0x5FFFF  }
0xac: {  	[dreg:$0x1] =	wrdreg $0xFFFFFFFF  }
0xad: {  	[dreg:$0x0] =	wrdreg $0x60  }
0xae: {  	[dreg:$0x2] =	wrdreg s24  }
0xaf: {  	[dreg:$0x3] =	wrdreg s2  }
0xb0: {  	[dreg:$0x4] =	wrdreg $0x0  }
0xb1: {  	[dreg:$0x5] =	wrdreg $0x9  }
0xb2: {  	_ =	task.clear_ibuf [dreg:s7], $0x6FFFF;
	_ =	strace $0x90000049  }
0xb3: {  	s29 =	simm.s32 $0x9;
	_ =	strace $0x8000004B  }
0xb4: {  	_ =	swait.ge [sflag:s29], $0x1  }
0xb5: {  	[sflag:s29] =	ssyncadd.s32 $0xFFFFFFFF  }
0xb6: {  	_ =	strace $0x9000004B  }
0xb7: {  	_ =	sfence  }
0xb8: {  	s30 =	sld [smem:$0x0];
	_ =	sdelay $0x2  }
0xb9: {  	s31 =	sshll.u32 s1, $0xD;
	s1 =	sshrl.u32 s1, $0x2  }
0xba: {  	s3 =	sand.u32 $0x4000, s31;
	s1 =	sadd.s32 s1, s30  }
0xbb: {  	s0 =	sor.u32 s3, s0;
	s1 =	sshll.u32 s1, $0x11  }
0xbc: {  	s0 =	sor.u32 s1, s0  }
0xbd: {  	s0 =	sadd.s32 $0x8F2B, s0  }
0xbe: {  	[sflag:s0] =	ssyncadd.remote.s32 $0x1  }
0xbf: {  	_ =	sfence.sel $0xFFFF  }
0xc0: {  	[dreg:$0x0] =	wrdreg $0xFFFFFFFF;
	(pc) =	sbr.abs _section_cstart, $3  }
0xc1: {  	[dreg:$0x1] =	wrdreg $0xFFFFFFFF  }
0xc2: {  	_ =	task.clear_ibuf [dreg:s7], $0x2FFFF;
	_ =	strace $0x9FFFFFFF  }
0xc3: {  	(tm) =	ssettm $0x7FFFFFFF  }
tec
execute0_lowered:
.L_overlay_start_1:
0x0: {  	(tag) =	ssettag $0x1  }
0x1: {  	s5 =	rddreg [dreg:$0x0]  }
0x2: {  	s12 =	rddreg [dreg:$0x1]  }
0x3: {  	s1 =	rddreg [dreg:$0x2];
	s2 =	simm.s32 $0x0  }
0x4: {  	s3 =	srdreg.scid;
	s15 =	simm.s32 $0x80;
	s16 =	simm.s32 $0x188C0  }
0x5: {  	s17 =	simm.s32 $0x18840;
	s18 =	simm.s32 $0x1;
	s6 =	sand.u32 $0x1, s3  }
0x6: {  	s19 =	simm.s32 $0x1C940;
	s3 =	stileid.u32;
	s21 =	smul.u32 $0x6200, s6  }
0x7: {  	s20 =	simm.s32 $0x1CA40;
	s22 =	simm.s32 $0x1C9C0;
	s8 =	smul.u32 $0xC350, s3  }
0x8: {  	s23 =	simm.s32 $0x0;
	s9 =	ssub.s32 $0x2, s6;
	s6 =	smul.u32 $0x3100, s6  }
0x9: {  	[smem:$0x7FF] =	sst s2;
	s11 =	sadd.s32 $0x1C57800, s5;
	s7 =	smul.u32 $0x7, s3  }
0xa: {  	s4 =	sadd.s32 $0x1CA00, s5;
	s5 =	sadd.s32 $0x7EA00, s5;
	s14 =	smul.u32 $0xC3500, s3  }
0xb: {  	_ =	strace $0x8000004A;
	s31 =	smul.u32 $0x186A, s3;
	s10 =	sshrl.u32 s9, $0x1  }
0xc: {  	s13 =	sadd.s32 $0xC300, s8;
	s10 =	ssub.s32 s9, s10;
	v0 =	vmov s21;
	s21 =	simm.s32 $0x50  }
0xd: {  	s8 =	sshrl.u32 s13, $0x3;
	s30 =	sshll.u32 s13, $0x4;
	s10 =	smax.u32 s10, $0x1  }
0xe: {  	s13 =	simm.s32 $0x18940;
	s8 =	sadd.s32 s12, s8;
	s9 =	sadd.s32 s11, s30  }
0xf: {  	v1 =	vlaneseq.u32;
	s11 =	sadd.s32 s14, s11;
	s12 =	sadd.s32 s31, s12;
	s14 =	simm.s32 $0x2  }
.LBB2_1:
0x10: {  	s24 =	sadd.s32 $0x0, s7  }
0x11: {  	s24 =	smin.u32 s24, $0x61  }
0x12: {  	s24 =	sshll.u32 s24, $0x7  }
0x13: {  	v2 =	vor.u32 s24, v1;
	s25 =	sor.u32 $0x10, s24  }
0x14: {  	s26 =	sor.u32 $0x20, s24;
	[tilespmem:$0x188C0] =	vst v2;
	v2 =	vor.u32 s25, v1  }
0x15: {  	s30 =	sor.u32 $0x50, s24;
	v3 =	vor.u32 s26, v1;
	[tilespmem:$0x188D0] =	vst v2  }
0x16: {  	s31 =	sor.u32 $0x70, s24;
	v2 =	vor.u32 s30, v1;
	[tilespmem:$0x188E0] =	vst v3  }
0x17: {  	s0 =	sor.u32 $0x40, s24;
	v3 =	vor.u32 s31, v1;
	[tilespmem:$0x18910] =	vst v2  }
0x18: {  	s28 =	sor.u32 $0x60, s24;
	v2 =	vor.u32 s0, v1;
	[tilespmem:$0x18930] =	vst v3  }
0x19: {  	s29 =	sadd.s32 s6, s24;
	s24 =	sor.u32 $0x30, s24;
	v3 =	vor.u32 s28, v1;
	[tilespmem:$0x18900] =	vst v2  }
0x1a: {  	s30 =	sshll.u32 s29, $0x4;
	v2 =	vor.u32 s24, v1;
	[tilespmem:$0x18920] =	vst v3  }
0x1b: {  	s31 =	sadd.s32 s4, s30;
	s24 =	simm.s32 $0x1;
	[tilespmem:$0x188F0] =	vst v2  }
0x1c: {  	[tilespmem:s13], [sflag:$0x2] =	stream.linear.gather [hbm4b:s31+s2], $0x4000, $0x38;
	[tilespmem:$0x1F240] =	vst v63  }
.LBB2_2:
0x1d: {  	p0 =	sne.s32 s24, $0x6  }
0x1e: {  	_ =	swait.ge [sflag:s14], $0x4000;
	s25 =	smov.u32 s24;
	s24 =	sadd.s32 $0x1, s24  }
0x1f: {  	[sflag:s14] =	ssyncset.done $0x0  }
0x20: {  	s25 =	sadd.s32 s25, s7;
	[sflag:s14] =	ssyncadd.s32 $0xFFFFC000  }
0x21: {  	[spmem:s1] =	stream.indirect.scatter [tilespmem:s13], [sflag:$0x2], $0x80, s16, s15, $0xb8;
	[tilespmem:$0x1F240] =	vst v63  }
0x22: {  	s25 =	smin.u32 s25, $0x61;
	_ =	swait.ge [sflag:s14], $0x4000  }
0x23: {  	s25 =	sshll.u32 s25, $0x7;
	[sflag:s14] =	ssyncset.done $0x0  }
0x24: {  	v2 =	vor.u32 s25, v1;
	s26 =	sor.u32 $0x10, s25;
	s28 =	sor.u32 $0x20, s25;
	[sflag:s14] =	ssyncadd.s32 $0xFFFFC000  }
0x25: {  	s29 =	sadd.s32 s6, s25;
	v3 =	vor.u32 s28, v1;
	s28 =	sor.u32 $0x50, s25;
	[tilespmem:$0x188C0] =	vst v2;
	v2 =	vor.u32 s26, v1;
	s26 =	sor.u32 $0x40, s25  }
0x26: {  	s30 =	sor.u32 $0x30, s25;
	v4 =	vor.u32 s28, v1;
	s28 =	sshll.u32 s29, $0x4;
	[tilespmem:$0x188D0] =	vst v2;
	v2 =	vor.u32 s26, v1;
	s26 =	sor.u32 $0x70, s25  }
0x27: {  	s25 =	sor.u32 $0x60, s25;
	[tilespmem:$0x188E0] =	vst v3;
	v3 =	vor.u32 s30, v1;
	v5 =	vor.u32 s26, v1;
	s26 =	sadd.s32 s4, s28  }
0x28: {  	[tilespmem:$0x18910] =	vst v4;
	v4 =	vor.u32 s25, v1  }
.Ltmp0:
0x29: {  	[tilespmem:$0x18930] =	vst v5;
	(pc) =	sbr.rel @p0 .LBB2_2-.Ltmp0, $4  }
0x2a: {  	[tilespmem:$0x18900] =	vst v2  }
0x2b: {  	[tilespmem:$0x18920] =	vst v4  }
0x2c: {  	[tilespmem:$0x188F0] =	vst v3  }
0x2d: {  	[tilespmem:s13], [sflag:$0x2] =	stream.linear.gather [hbm4b:s26+s2], $0x4000, $0x38;
	[tilespmem:$0x1F240] =	vst v63  }
0x2e: {  	_ =	swait.ge [sflag:s14], $0x4000  }
0x2f: {  	[sflag:s14] =	ssyncset.done $0x0  }
0x30: {  	[sflag:s14] =	ssyncadd.s32 $0xFFFFC000  }
0x31: {  	[spmem:s1] =	stream.indirect.scatter [tilespmem:s13], [sflag:$0x2], $0x80, s16, s15, $0xb8;
	[tilespmem:$0x1F240] =	vst v63  }
0x32: {  	_ =	swait.ge [sflag:s14], $0x4000  }
0x33: {  	[sflag:s14] =	ssyncset.done $0x0  }
0x34: {  	s24 =	sadd.s32 $0x0, s12;
	[sflag:s14] =	ssyncadd.s32 $0xFFFFC000  }
0x35: {  	s28 =	simm.s32 $0x10;
	s26 =	sadd.s32 $0x800, s11;
	[bflag:$0x0] =	sbarrier.arrive $0xFFFF  }
0x36: {  	[tilespmem:s17], [sflag:$0x1] =	stream.linear.gather [hbm4b:s24+s2], $0x80, $0x38;
	[tilespmem:$0x1F240] =	vst v63  }
0x37: {  	s25 =	simm.s32 $0x20;
	s29 =	simm.s32 $0x30;
	s24 =	sadd.s32 $0x800, s26  }
0x38: {  	[tilespmem:s13], [sflag:$0x1] =	stream.linear.gather [hbm4b:s11+s2], $0x4000, $0x38;
	[tilespmem:$0x1F240] =	vst v63  }
.LBB2_4:
0x39: {  	p0 =	sne.s32 s29, $0x1850;
	_ =	swait.ge [sflag:s18], $0x80;
	s30 =	smov.u32 s26  }
0x3a: {  	s26 =	smov.u32 s24;
	s24 =	sadd.s32 $0x800, s24;
	s31 =	smov.u32 s29  }
0x3b: {  	s29 =	sadd.s32 $0x10, s29;
	[sflag:s18] =	ssyncset.done $0x0  }
0x3c: {  	[sflag:s18] =	ssyncadd.s32 $0xFFFFFF80  }
0x3d: {  	_ =	swait.ge [sflag:s18], $0x4000  }
0x3e: {  	[sflag:s18] =	ssyncset.done $0x0  }
0x3f: {  	[sflag:s18] =	ssyncadd.s32 $0xFFFFC000  }
0x40: {  	v2 =	vld [tilespmem:$0x18840]  }
0x41: {  	v3 =	vld [tilespmem:$0x18860]  }
0x42: {  	v4 =	vld [tilespmem:$0x188A0]  }
0x43: {  	v5 =	vld [tilespmem:$0x18870]  }
0x44: {  	v6 =	vld [tilespmem:$0x188B0]  }
0x45: {  	v7 =	vld [tilespmem:$0x18890]  }
0x46: {  	v8 =	vld [tilespmem:$0x18850];
	v3 =	vsub.s32 v3, v0  }
0x47: {  	v2 =	vsub.s32 v2, v0;
	v3 =	vmin.u32 v3, $0x6200;
	v9 =	vld [tilespmem:$0x18880];
	v4 =	vsub.s32 v4, v0  }
0x48: {  	v2 =	vmin.u32 v2, $0x6200;
	v3 =	vshrl.u32 v3, $0x1;
	v4 =	vmin.u32 v4, $0x6200  }
0x49: {  	v2 =	vshrl.u32 v2, $0x1;
	[tilespmem:$0x188E0] =	vst v3;
	v3 =	vsub.s32 v5, v0;
	v4 =	vshrl.u32 v4, $0x1  }
0x4a: {  	v5 =	vsub.s32 v6, v0;
	[tilespmem:$0x188C0] =	vst v2;
	v2 =	vmin.u32 v3, $0x6200;
	v3 =	vsub.s32 v7, v0  }
0x4b: {  	v6 =	vsub.s32 v8, v0;
	v2 =	vshrl.u32 v2, $0x1;
	[tilespmem:$0x18920] =	vst v4;
	v4 =	vmin.u32 v5, $0x6200  }
0x4c: {  	v5 =	vmin.u32 v6, $0x6200;
	[tilespmem:$0x188F0] =	vst v2;
	v2 =	vmin.u32 v3, $0x6200;
	v3 =	vshrl.u32 v4, $0x1  }
0x4d: {  	v4 =	vshrl.u32 v5, $0x1;
	v5 =	vsub.s32 v9, v0;
	v2 =	vshrl.u32 v2, $0x1;
	[tilespmem:$0x18930] =	vst v3  }
0x4e: {  	[tilespmem:$0x188D0] =	vst v4;
	v3 =	vmin.u32 v5, $0x6200  }
0x4f: {  	v3 =	vshrl.u32 v3, $0x1;
	[tilespmem:$0x18910] =	vst v2  }
0x50: {  	[tilespmem:$0x18900] =	vst v3  }
0x51: {  	[spmem:s1] =	stream.indirect.scatter.add.f32 [tilespmem:s13], [sflag:$0x2], $0x80, s16, s15, $0xb8;
	[tilespmem:$0x1F240] =	vst v63  }
0x52: {  	_ =	swait.ge [sflag:s14], $0x4000  }
.Ltmp1:
0x53: {  	[sflag:s14] =	ssyncset.done $0x0;
	(pc) =	sbr.rel @p0 .LBB2_4-.Ltmp1, $4  }
0x54: {  	s0 =	sadd.s32 s28, s12;
	s28 =	smov.u32 s25;
	[sflag:s14] =	ssyncadd.s32 $0xFFFFC000  }
0x55: {  	[tilespmem:s17], [sflag:$0x1] =	stream.linear.gather [hbm4b:s0+s2], $0x80, $0x38;
	[tilespmem:$0x1F240] =	vst v63  }
0x56: {  	s25 =	smov.u32 s31  }
0x57: {  	[tilespmem:s13], [sflag:$0x1] =	stream.linear.gather [hbm4b:s30+s2], $0x4000, $0x38;
	[tilespmem:$0x1F240] =	vst v63  }
0x58: {  	_ =	swait.ge [sflag:s18], $0x80  }
0x59: {  	[sflag:s18] =	ssyncset.done $0x0  }
0x5a: {  	[sflag:s18] =	ssyncadd.s32 $0xFFFFFF80  }
0x5b: {  	_ =	swait.ge [sflag:s18], $0x4000  }
0x5c: {  	[sflag:s18] =	ssyncset.done $0x0  }
0x5d: {  	[sflag:s18] =	ssyncadd.s32 $0xFFFFC000  }
0x5e: {  	v2 =	vld [tilespmem:$0x18860]  }
0x5f: {  	v3 =	vld [tilespmem:$0x18840]  }
0x60: {  	v4 =	vld [tilespmem:$0x188A0]  }
0x61: {  	v7 =	vld [tilespmem:$0x18850]  }
0x62: {  	v5 =	vld [tilespmem:$0x18870]  }
0x63: {  	v6 =	vld [tilespmem:$0x188B0];
	v2 =	vsub.s32 v2, v0  }
0x64: {  	v8 =	vld [tilespmem:$0x18890];
	v3 =	vsub.s32 v3, v0;
	v2 =	vmin.u32 v2, $0x6200  }
0x65: {  	v9 =	vld [tilespmem:$0x18880];
	v4 =	vsub.s32 v4, v0;
	v3 =	vmin.u32 v3, $0x6200;
	v2 =	vshrl.u32 v2, $0x1  }
0x66: {  	v35 =	vsub.s32 v7, v0;
	v4 =	vmin.u32 v4, $0x6200;
	v3 =	vshrl.u32 v3, $0x1;
	[tilespmem:$0x188E0] =	vst v2  }
0x67: {  	v4 =	vshrl.u32 v4, $0x1;
	v2 =	vsub.s32 v5, v0;
	[tilespmem:$0x188C0] =	vst v3;
	v5 =	vmin.u32 v35, $0x6200  }
0x68: {  	v3 =	vsub.s32 v6, v0;
	[tilespmem:$0x18920] =	vst v4;
	v2 =	vmin.u32 v2, $0x6200;
	v37 =	vshrl.u32 v5, $0x1  }
0x69: {  	v36 =	vsub.s32 v8, v0;
	v3 =	vmin.u32 v3, $0x6200;
	v2 =	vshrl.u32 v2, $0x1;
	[tilespmem:$0x188D0] =	vst v37  }
0x6a: {  	v38 =	vsub.s32 v9, v0;
	[tilespmem:$0x188F0] =	vst v2;
	v2 =	vshrl.u32 v3, $0x1;
	v3 =	vmin.u32 v36, $0x6200  }
0x6b: {  	[tilespmem:$0x18930] =	vst v2;
	v2 =	vshrl.u32 v3, $0x1;
	v3 =	vmin.u32 v38, $0x6200  }
0x6c: {  	v3 =	vshrl.u32 v3, $0x1;
	[tilespmem:$0x18910] =	vst v2  }
0x6d: {  	[tilespmem:$0x18900] =	vst v3  }
0x6e: {  	[spmem:s1] =	stream.indirect.scatter.add.f32 [tilespmem:s13], [sflag:$0x2], $0x80, s16, s15, $0xb8;
	[tilespmem:$0x1F240] =	vst v63  }
0x6f: {  	_ =	swait.ge [sflag:s14], $0x4000  }
0x70: {  	[sflag:s14] =	ssyncset.done $0x0  }
0x71: {  	s0 =	sadd.s32 s28, s12;
	[sflag:s14] =	ssyncadd.s32 $0xFFFFC000  }
0x72: {  	[tilespmem:s17], [sflag:$0x1] =	stream.linear.gather [hbm4b:s0+s2], $0x80, $0x38;
	[tilespmem:$0x1F240] =	vst v63  }
0x73: {  	_ = 	snop  }
0x74: {  	[tilespmem:s13], [sflag:$0x1] =	stream.linear.gather [hbm4b:s26+s2], $0x4000, $0x38;
	[tilespmem:$0x1F240] =	vst v63  }
0x75: {  	_ =	swait.ge [sflag:s18], $0x80  }
0x76: {  	[sflag:s18] =	ssyncset.done $0x0  }
0x77: {  	[sflag:s18] =	ssyncadd.s32 $0xFFFFFF80  }
0x78: {  	_ =	swait.ge [sflag:s18], $0x4000  }
0x79: {  	[sflag:s18] =	ssyncset.done $0x0  }
0x7a: {  	[sflag:s18] =	ssyncadd.s32 $0xFFFFC000  }
0x7b: {  	v2 =	vld [tilespmem:$0x18860]  }
0x7c: {  	v3 =	vld [tilespmem:$0x18840]  }
0x7d: {  	v39 =	vld [tilespmem:$0x188A0]  }
0x7e: {  	v42 =	vld [tilespmem:$0x18850]  }
0x7f: {  	v40 =	vld [tilespmem:$0x18870]  }
0x80: {  	v41 =	vld [tilespmem:$0x188B0];
	v2 =	vsub.s32 v2, v0  }
0x81: {  	v43 =	vld [tilespmem:$0x18890];
	v3 =	vsub.s32 v3, v0;
	v2 =	vmin.u32 v2, $0x6200  }
0x82: {  	v44 =	vld [tilespmem:$0x18880];
	v4 =	vsub.s32 v39, v0;
	v3 =	vmin.u32 v3, $0x6200;
	v2 =	vshrl.u32 v2, $0x1  }
0x83: {  	v45 =	vsub.s32 v42, v0;
	v4 =	vmin.u32 v4, $0x6200;
	v3 =	vshrl.u32 v3, $0x1;
	[tilespmem:$0x188E0] =	vst v2  }
0x84: {  	v5 =	vmin.u32 v45, $0x6200;
	v4 =	vshrl.u32 v4, $0x1;
	v2 =	vsub.s32 v40, v0;
	[tilespmem:$0x188C0] =	vst v3  }
0x85: {  	v47 =	vshrl.u32 v5, $0x1;
	v3 =	vsub.s32 v41, v0;
	[tilespmem:$0x18920] =	vst v4;
	v2 =	vmin.u32 v2, $0x6200  }
0x86: {  	v46 =	vsub.s32 v43, v0;
	[tilespmem:$0x188D0] =	vst v47;
	v3 =	vmin.u32 v3, $0x6200;
	v2 =	vshrl.u32 v2, $0x1  }
0x87: {  	v48 =	vsub.s32 v44, v0;
	[tilespmem:$0x188F0] =	vst v2;
	v2 =	vshrl.u32 v3, $0x1;
	v3 =	vmin.u32 v46, $0x6200  }
0x88: {  	[tilespmem:$0x18930] =	vst v2;
	v2 =	vshrl.u32 v3, $0x1;
	v3 =	vmin.u32 v48, $0x6200  }
0x89: {  	v3 =	vshrl.u32 v3, $0x1;
	[tilespmem:$0x18910] =	vst v2  }
0x8a: {  	[tilespmem:$0x18900] =	vst v3  }
0x8b: {  	[spmem:s1] =	stream.indirect.scatter.add.f32 [tilespmem:s13], [sflag:$0x2], $0x80, s16, s15, $0xb8;
	[tilespmem:$0x1F240] =	vst v63  }
0x8c: {  	_ =	swait.ge [sflag:s14], $0x4000  }
0x8d: {  	[sflag:s14] =	ssyncset.done $0x0  }
0x8e: {  	s28 =	sadd.s32 s25, s12;
	[sflag:s14] =	ssyncadd.s32 $0xFFFFC000  }
0x8f: {  	[tilespmem:s17], [sflag:$0x1] =	stream.linear.gather [hbm4b:s28+s2], $0x80, $0x38;
	[tilespmem:$0x1F240] =	vst v63  }
0x90: {  	_ = 	snop  }
0x91: {  	[tilespmem:s13], [sflag:$0x1] =	stream.linear.gather [hbm4b:s24+s2], $0x4000, $0x38;
	[tilespmem:$0x1F240] =	vst v63  }
0x92: {  	_ =	swait.ge [sflag:s18], $0x80  }
0x93: {  	[sflag:s18] =	ssyncset.done $0x0  }
0x94: {  	[sflag:s18] =	ssyncadd.s32 $0xFFFFFF80  }
0x95: {  	_ =	swait.ge [sflag:s18], $0x4000  }
0x96: {  	[sflag:s18] =	ssyncset.done $0x0  }
0x97: {  	[sflag:s18] =	ssyncadd.s32 $0xFFFFC000  }
0x98: {  	v2 =	vld [tilespmem:$0x18860]  }
0x99: {  	v3 =	vld [tilespmem:$0x18840]  }
0x9a: {  	v49 =	vld [tilespmem:$0x188A0]  }
0x9b: {  	v52 =	vld [tilespmem:$0x18850]  }
0x9c: {  	v50 =	vld [tilespmem:$0x18870]  }
0x9d: {  	v51 =	vld [tilespmem:$0x188B0];
	v2 =	vsub.s32 v2, v0  }
0x9e: {  	v53 =	vld [tilespmem:$0x18890];
	v3 =	vsub.s32 v3, v0;
	v2 =	vmin.u32 v2, $0x6200  }
0x9f: {  	v54 =	vld [tilespmem:$0x18880];
	v4 =	vsub.s32 v49, v0;
	v3 =	vmin.u32 v3, $0x6200;
	v2 =	vshrl.u32 v2, $0x1  }
0xa0: {  	v55 =	vsub.s32 v52, v0;
	v4 =	vmin.u32 v4, $0x6200;
	v3 =	vshrl.u32 v3, $0x1;
	[tilespmem:$0x188E0] =	vst v2  }
0xa1: {  	v5 =	vmin.u32 v55, $0x6200;
	v4 =	vshrl.u32 v4, $0x1;
	v2 =	vsub.s32 v50, v0;
	[tilespmem:$0x188C0] =	vst v3  }
0xa2: {  	v57 =	vshrl.u32 v5, $0x1;
	v3 =	vsub.s32 v51, v0;
	[tilespmem:$0x18920] =	vst v4;
	v2 =	vmin.u32 v2, $0x6200  }
0xa3: {  	v56 =	vsub.s32 v53, v0;
	[tilespmem:$0x188D0] =	vst v57;
	v3 =	vmin.u32 v3, $0x6200;
	v2 =	vshrl.u32 v2, $0x1  }
0xa4: {  	v58 =	vsub.s32 v54, v0;
	[tilespmem:$0x188F0] =	vst v2;
	v2 =	vshrl.u32 v3, $0x1;
	v3 =	vmin.u32 v56, $0x6200  }
0xa5: {  	[tilespmem:$0x18930] =	vst v2;
	v2 =	vshrl.u32 v3, $0x1;
	v3 =	vmin.u32 v58, $0x6200  }
0xa6: {  	v3 =	vshrl.u32 v3, $0x1;
	[tilespmem:$0x18910] =	vst v2  }
0xa7: {  	[tilespmem:$0x18900] =	vst v3  }
0xa8: {  	[spmem:s1] =	stream.indirect.scatter.add.f32 [tilespmem:s13], [sflag:$0x2], $0x80, s16, s15, $0xb8;
	[tilespmem:$0x1F240] =	vst v63  }
0xa9: {  	_ =	swait.ge [sflag:s14], $0x4000  }
0xaa: {  	[sflag:s14] =	ssyncset.done $0x0  }
0xab: {  	s29 =	simm.s32 $0x0;
	[sflag:s14] =	ssyncadd.s32 $0xFFFFC000  }
0xac: {  	[tilespmem:s19], [sflag:$0x2] =	stream.linear.gather [hbm4b:s8+s29], $0x50, $0x38;
	[tilespmem:$0x1F240] =	vst v63  }
0xad: {  	_ =	swait.ge [sflag:s14], $0x50  }
0xae: {  	[sflag:s14] =	ssyncset.done $0x0  }
0xaf: {  	[sflag:s14] =	ssyncadd.s32 $0xFFFFFFB0  }
0xb0: {  	[tilespmem:s20], [sflag:$0x2] =	stream.linear.gather [hbm4b:s9+s29], $0x2800, $0x38;
	[tilespmem:$0x1F240] =	vst v63  }
0xb1: {  	_ =	swait.ge [sflag:s14], $0x2800  }
0xb2: {  	[sflag:s14] =	ssyncset.done $0x0  }
0xb3: {  	[sflag:s14] =	ssyncadd.s32 $0xFFFFD800  }
0xb4: {  	v2 =	vld [tilespmem:$0x1C940]  }
0xb5: {  	v3 =	vld [tilespmem:$0x1C950]  }
0xb6: {  	v59 =	vld [tilespmem:$0x1C960]  }
0xb7: {  	v60 =	vld [tilespmem:$0x1C970]  }
0xb8: {  	v61 =	vld [tilespmem:$0x1C980]  }
0xb9: {  	v2 =	vsub.s32 v2, v0  }
0xba: {  	v3 =	vsub.s32 v3, v0;
	v2 =	vmin.u32 v2, $0x6200  }
0xbb: {  	v4 =	vsub.s32 v59, v0;
	v3 =	vmin.u32 v3, $0x6200;
	v2 =	vshrl.u32 v2, $0x1  }
0xbc: {  	v62 =	vsub.s32 v60, v0;
	[tilespmem:$0x1C9C0] =	vst v2;
	v2 =	vshrl.u32 v3, $0x1;
	v3 =	vmin.u32 v4, $0x6200  }
0xbd: {  	v63 =	vsub.s32 v61, v0;
	[tilespmem:$0x1C9D0] =	vst v2;
	v2 =	vshrl.u32 v3, $0x1;
	v3 =	vmin.u32 v62, $0x6200  }
0xbe: {  	[tilespmem:$0x1C9E0] =	vst v2;
	v2 =	vshrl.u32 v3, $0x1;
	v3 =	vmin.u32 v63, $0x6200  }
0xbf: {  	[tilespmem:$0x1C9F0] =	vst v2;
	v2 =	vshrl.u32 v3, $0x1  }
0xc0: {  	[tilespmem:$0x1CA00] =	vst v2  }
0xc1: {  	[spmem:s1] =	stream.indirect.scatter.add.f32 [tilespmem:s20], [sflag:$0x2], $0x80, s22, s21, $0xb8;
	[tilespmem:$0x1F240] =	vst v63  }
0xc2: {  	s30 =	sadd.s32 $0x0, s7;
	_ =	swait.ge [sflag:s14], $0x2800  }
0xc3: {  	s0 =	smin.u32 s30, $0x61;
	[sflag:s14] =	ssyncset.done $0x0  }
0xc4: {  	s0 =	sshll.u32 s0, $0x7;
	[sflag:s14] =	ssyncadd.s32 $0xFFFFD800  }
0xc5: {  	s26 =	sor.u32 $0x20, s0;
	v2 =	vor.u32 s0, v1;
	[bflag:$0x0] =	sbarrier.arrive $0xFFFF  }
0xc6: {  	s31 =	sor.u32 $0x10, s0;
	v3 =	vor.u32 s26, v1;
	[tilespmem:$0x188C0] =	vst v2  }
0xc7: {  	s29 =	sor.u32 $0x40, s0;
	v2 =	vor.u32 s31, v1;
	[tilespmem:$0x188E0] =	vst v3  }
0xc8: {  	s25 =	sor.u32 $0x70, s0;
	v3 =	vor.u32 s29, v1;
	[tilespmem:$0x188D0] =	vst v2  }
0xc9: {  	s31 =	sor.u32 $0x60, s0;
	v2 =	vor.u32 s25, v1;
	[tilespmem:$0x18900] =	vst v3  }
0xca: {  	s28 =	sor.u32 $0x50, s0;
	v3 =	vor.u32 s31, v1;
	[tilespmem:$0x18930] =	vst v2  }
0xcb: {  	s30 =	sor.u32 $0x30, s0;
	v2 =	vor.u32 s28, v1;
	[tilespmem:$0x18920] =	vst v3  }
0xcc: {  	s0 =	sadd.s32 s6, s0;
	[tilespmem:$0x18910] =	vst v2;
	v2 =	vor.u32 s30, v1  }
0xcd: {  	s24 =	simm.s32 $0x1;
	s25 =	sshll.u32 s0, $0x4;
	[tilespmem:$0x188F0] =	vst v2  }
0xce: {  	[tilespmem:s13], [sflag:$0x2] =	stream.indirect.gather [spmem:s1], $0x80, s16, s15, $0xb8;
	[tilespmem:$0x1F240] =	vst v63  }
.LBB2_6:
0xcf: {  	p0 =	sne.s32 s24, $0x6  }
0xd0: {  	_ =	swait.ge [sflag:s14], $0x4000;
	s0 =	smov.u32 s24;
	s24 =	sadd.s32 $0x1, s24  }
0xd1: {  	[sflag:s14] =	ssyncset.done $0x0  }
0xd2: {  	s25 =	sadd.s32 s5, s25;
	s0 =	sadd.s32 s0, s7;
	[sflag:s14] =	ssyncadd.s32 $0xFFFFC000  }
0xd3: {  	[hbm4b:s25+s2] =	stream.linear.scatter [tilespmem:s13], [sflag:$0x2], $0x4000, $0x38;
	[tilespmem:$0x1F240] =	vst v63  }
0xd4: {  	s0 =	smin.u32 s0, $0x61;
	_ =	swait.ge [sflag:s14], $0x4000  }
0xd5: {  	s0 =	sshll.u32 s0, $0x7;
	[sflag:s14] =	ssyncset.done $0x0  }
0xd6: {  	v2 =	vor.u32 s0, v1;
	s25 =	sor.u32 $0x10, s0;
	s26 =	sor.u32 $0x20, s0;
	[sflag:s14] =	ssyncadd.s32 $0xFFFFC000  }
0xd7: {  	s28 =	sor.u32 $0x70, s0;
	v3 =	vor.u32 s26, v1;
	s26 =	sor.u32 $0x50, s0;
	[tilespmem:$0x188C0] =	vst v2;
	v2 =	vor.u32 s25, v1;
	s25 =	sor.u32 $0x40, s0  }
0xd8: {  	s29 =	sor.u32 $0x30, s0;
	v5 =	vor.u32 s28, v1;
	v4 =	vor.u32 s26, v1;
	[tilespmem:$0x188D0] =	vst v2;
	v2 =	vor.u32 s25, v1;
	s25 =	sor.u32 $0x60, s0;
	s0 =	sadd.s32 s6, s0  }
0xd9: {  	v6 =	vor.u32 s29, v1;
	v7 =	vor.u32 s25, v1;
	[tilespmem:$0x18930] =	vst v5;
	s25 =	sshll.u32 s0, $0x4  }
0xda: {  	[tilespmem:$0x188E0] =	vst v3  }
.Ltmp2:
0xdb: {  	[tilespmem:$0x18910] =	vst v4;
	(pc) =	sbr.rel @p0 .LBB2_6-.Ltmp2, $4  }
0xdc: {  	[tilespmem:$0x18900] =	vst v2  }
0xdd: {  	[tilespmem:$0x188F0] =	vst v6  }
0xde: {  	[tilespmem:$0x18920] =	vst v7  }
0xdf: {  	[tilespmem:s13], [sflag:$0x2] =	stream.indirect.gather [spmem:s1], $0x80, s16, s15, $0xb8;
	[tilespmem:$0x1F240] =	vst v63  }
0xe0: {  	_ =	swait.ge [sflag:s14], $0x4000;
	s23 =	sadd.s32 $0x1, s23  }
0xe1: {  	[sflag:s14] =	ssyncset.done $0x0;
	p0 =	sne.s32 s23, s10  }
.Ltmp3:
0xe2: {  	s0 =	sadd.s32 s5, s25;
	[sflag:s14] =	ssyncadd.s32 $0xFFFFC000;
	(pc) =	sbr.rel @p0 .LBB2_1-.Ltmp3, $4  }
0xe3: {  	[hbm4b:s0+s2] =	stream.linear.scatter [tilespmem:s13], [sflag:$0x2], $0x4000, $0x38;
	[tilespmem:$0x1F240] =	vst v63  }
0xe4: {  	_ =	swait.ge [sflag:s14], $0x4000  }
0xe5: {  	[sflag:s14] =	ssyncset.done $0x0  }
0xe6: {  	[sflag:s14] =	ssyncadd.s32 $0xFFFFC000  }
0xe7: {  	_ =	sfence.sel $0x180000  }
0xe8: {  	[bflag:$0x0] =	sbarrier.arrive $0xFFFF  }
0xe9: {  	_ =	strace $0x9000004A  }
0xea: {  	[bflag:$0x2] =	sbarrier.arrive $0xFFFF  }
0xeb: {  	p0 =	sne.s32 s3, $0x0;
	s0 =	rddreg [dreg:$0x3]  }
0xec: {  	s0 =	sadd.s32 @!p0 $0x100000, s0  }
0xed: {  	[sflag:s0] =	ssyncadd.tile.s32 @!p0 $0x1;
	_ =	shalt  }
.Lfunc_end2:
_tile_overlayer_lowered:
.L_overlay_start_2:
0xee: {  	(tag) =	ssettag $0x2  }
0xef: {  	s0 =	rddreg [dreg:$0x0];
	s2 =	stileid.u32  }
0xf0: {  	s1 =	rddreg [dreg:$0x1];
	p0 =	sne.s32 s2, $0x0  }
0xf1: {  	s3 =	rddreg [dreg:$0x2];
	[bflag:$0x3] =	sbarrier.arrive $0xFFFF;
	s2 =	simm.s32 @!p0 $0x1C02  }
0xf2: {  	[timem:s3], [sflag:s2] =	dma.local @!p0 [hbm:s0], s1  }
0xf3: {  	s0 =	simm.s32 @!p0 $0x2  }
0xf4: {  	_ =	swait.ge @!p0 [sflag:s0], s1  }
0xf5: {  	s1 =	ssub.s32 @!p0 $0x0, s1;
	[sflag:s0] =	ssyncset.done @!p0 $0x0  }
0xf6: {  	[sflag:s0] =	ssyncadd.s32 @!p0 s1  }
0xf7: {  	[bflag:$0x3] =	sbarrier.arrive $0xFFFF  }
0xf8: {  	_ =	shalt  }

// kernel: kernel.8.cloned.1.call-start
scs
__scs_entry_jumppad:
0x0: {  	(pc) =	sbr.rel $0x88, $3  }
0x1: {  	(tag) =	ssettag $0x0;
	lr =	simm.s32 $0x1  }
0x2: {  	[smem:$0x3F8D] =	sst lr;
	_ =	strace $0xD0000000  }
0x3: {  	_ = 	snop  }
0x4: {  	_ = 	snop  }
0x5: {  	_ = 	snop  }
0x6: {  	_ = 	snop  }
0x7: {  	_ = 	snop  }
__scs_overlays_trampoline_lowered:
0x8: {  	[smem:$0x3F9C] =	sst s0  }
0x9: {  	[smem:$0x3F9D] =	sst s1  }
0xa: {  	[smem:$0x3F9E] =	sst s2  }
0xb: {  	[smem:$0x3F9F] =	sst s3  }
0xc: {  	[smem:$0x3FA0] =	sst s4  }
0xd: {  	[smem:$0x3FA1] =	sst s5  }
0xe: {  	[smem:$0x3FA2] =	sst s6  }
0xf: {  	[smem:$0x3FA3] =	sst s7  }
0x10: {  	[smem:$0x3FA4] =	sst s8  }
0x11: {  	[smem:$0x3FA5] =	sst s9;
	s0 =	simm.s32 @!p0 $0x0  }
0x12: {  	s1 =	sld [smem:$0x3F8B];
	s0 =	simm.s32 @p0 $0x1  }
0x13: {  	[smem:$0x3FA6] =	sst s0;
	s0 =	simm.s32 @!p1 $0x0  }
0x14: {  	s2 =	sld [smem:$0x3F8A];
	s0 =	simm.s32 @p1 $0x1  }
0x15: {  	[smem:$0x3FA7] =	sst s0;
	s0 =	simm.s32 @!p2 $0x0  }
0x16: {  	s3 =	sld [smem:$0x3FDB];
	s0 =	simm.s32 @p2 $0x1  }
0x17: {  	s4 =	simm.s32 $0x1BF5;
	[smem:$0x3FA9] =	sst s0  }
0x18: {  	s0 =	sld [smem:$0x3F8C];
	_ =	swait.ge [sflag:s4], $0x0  }
0x19: {  	s7 =	sld [smem:$0x3F8D]  }
0x1a: {  	s8 =	sadd.s32 $0xFFFFE003, lr  }
0x1b: {  	s9 =	sadd.s32 $0xFFFFFEF7, lr;
	s5 =	simm.s32 $0xFFFFFFFF;
	p2 =	slt.u32 s8, $0xFFFFF086  }
0x1c: {  	p1 =	slt.u32 s9, $0xF7A;
	s5 =	simm.s32 @!p2 $0x0  }
0x1d: {  	s5 =	simm.s32 @p1 $0x1;
	p0 =	seq.s32 s7, s2  }
0x1e: {  	s7 =	smul.u32 @!p0 $0xF7A, s2;
	p2 =	seq.s32 @!p0 s5, $0x0  }
0x1f: {  	s9 =	smul.u32 $0xF7A, s1;
	s8 =	simm.s32 @!p0 $0x1BF5;
	p2 =	por !p2, p0  }
0x20: {  	[sflag:s8] =	ssyncset.s32 @!p0 $0xFFFFF086;
	s6 =	sadd.s32 @!p0 s3, s7;
	s7 =	simm.s32 @!p0 $0x108  }
0x21: {  	s3 =	sadd.s32 s3, s9;
	s6 =	sadd.s32 @!p0 $0x88, s6;
	s7 =	simm.s32 @p2 $0x1082  }
0x22: {  	[simem:s7], [sflag:s8] =	dma.local @!p0 [hbm:s6], $0xF7A  }
0x23: {  	s9 =	sor.u32 $0xD0000000, s2;
	s6 =	simm.s32 $0x108;
	_ =	swait.ge @!p0 [sflag:s8], $0x0  }
0x24: {  	s3 =	sadd.s32 $0x88, s3;
	s6 =	simm.s32 @!p1 $0x1082;
	[sflag:s4] =	ssyncset.s32 $0xFFFFF086  }
0x25: {  	[simem:s6], [sflag:s4] =	dma.local [hbm:s3], $0xF7A  }
0x26: {  	[smem:$0x3F8D] =	sst s1;
	(tag) =	ssettag s2;
	_ =	strace s9  }
0x27: {  	s1 =	sld [smem:$0x3F9D]  }
0x28: {  	s2 =	sld [smem:$0x3F9E]  }
0x29: {  	s4 =	sld [smem:$0x3FA0]  }
0x2a: {  	p0 =	seq.s32 s5, $0x0;
	s5 =	sld [smem:$0x3FA1]  }
0x2b: {  	s6 =	sld [smem:$0x3FA2]  }
0x2c: {  	s7 =	sld [smem:$0x3FA3]  }
0x2d: {  	s3 =	simm.s32 $0x108;
	s8 =	sld [smem:$0x3FA4]  }
0x2e: {  	s3 =	simm.s32 @!p0 $0x1082;
	s9 =	sld [smem:$0x3FA5]  }
0x2f: {  	lr =	sadd.s32 s0, s3;
	s0 =	sld [smem:$0x3F9C]  }
0x30: {  	s3 =	sld [smem:$0x3F9F]  }
0x31: {  	[smem:$0x3FA8] =	sst s10  }
0x32: {  	s10 =	sld [smem:$0x3FA6];
	_ =	sdelay $0x3  }
0x33: {  	p0 =	seq.s32 s10, $0x1;
	s10 =	sld [smem:$0x3FA8];
	_ =	sdelay $0x3  }
0x34: {  	[smem:$0x3FA8] =	sst s10  }
0x35: {  	s10 =	sld [smem:$0x3FA7];
	_ =	sdelay $0x3  }
0x36: {  	p1 =	seq.s32 s10, $0x1;
	s10 =	sld [smem:$0x3FA8];
	_ =	sdelay $0x3  }
0x37: {  	[smem:$0x3FA8] =	sst s10  }
0x38: {  	s10 =	sld [smem:$0x3FA9]  }
0x39: {  	_ = 	snop;
	(pc) =	sbr.ind lr, $3  }
0x3a: {  	_ = 	snop  }
0x3b: {  	_ = 	snop  }
0x3c: {  	p2 =	seq.s32 s10, $0x1;
	s10 =	sld [smem:$0x3FA8]  }
0x3d: {  	_ =	shalt  }
0x3e: {  	_ =	shalt  }
0x3f: {  	_ =	shalt  }
0x40: {  	_ =	shalt  }
0x41: {  	_ =	shalt  }
0x42: {  	_ =	shalt  }
0x43: {  	_ =	shalt  }
0x44: {  	_ =	shalt  }
0x45: {  	_ =	shalt  }
0x46: {  	_ =	shalt  }
0x47: {  	_ =	shalt  }
0x48: {  	_ =	shalt  }
0x49: {  	_ =	shalt  }
0x4a: {  	_ =	shalt  }
0x4b: {  	_ =	shalt  }
0x4c: {  	_ =	shalt  }
0x4d: {  	_ =	shalt  }
0x4e: {  	_ =	shalt  }
0x4f: {  	_ =	shalt  }
0x50: {  	_ =	shalt  }
0x51: {  	_ =	shalt  }
0x52: {  	_ =	shalt  }
0x53: {  	_ =	shalt  }
0x54: {  	_ =	shalt  }
0x55: {  	_ =	shalt  }
0x56: {  	_ =	shalt  }
0x57: {  	_ =	shalt  }
0x58: {  	_ =	shalt  }
0x59: {  	_ =	shalt  }
0x5a: {  	_ =	shalt  }
0x5b: {  	_ =	shalt  }
0x5c: {  	_ =	shalt  }
0x5d: {  	_ =	shalt  }
0x5e: {  	_ =	shalt  }
0x5f: {  	_ =	shalt  }
0x60: {  	_ =	shalt  }
0x61: {  	_ =	shalt  }
0x62: {  	_ =	shalt  }
0x63: {  	_ =	shalt  }
0x64: {  	_ =	shalt  }
0x65: {  	_ =	shalt  }
0x66: {  	_ =	shalt  }
0x67: {  	_ =	shalt  }
0x68: {  	_ =	shalt  }
0x69: {  	_ =	shalt  }
0x6a: {  	_ =	shalt  }
0x6b: {  	_ =	shalt  }
0x6c: {  	_ =	shalt  }
0x6d: {  	_ =	shalt  }
0x6e: {  	_ =	shalt  }
0x6f: {  	_ =	shalt  }
0x70: {  	_ =	shalt  }
0x71: {  	_ =	shalt  }
0x72: {  	_ =	shalt  }
0x73: {  	_ =	shalt  }
0x74: {  	_ =	shalt  }
0x75: {  	_ =	shalt  }
0x76: {  	_ =	shalt  }
0x77: {  	_ =	shalt  }
0x78: {  	_ =	shalt  }
0x79: {  	_ =	shalt  }
0x7a: {  	_ =	shalt  }
0x7b: {  	_ =	shalt  }
0x7c: {  	_ =	shalt  }
0x7d: {  	_ =	shalt  }
0x7e: {  	_ =	shalt  }
0x7f: {  	_ =	shalt  }
0x80: {  	_ =	shalt  }
0x81: {  	_ =	shalt  }
0x82: {  	_ =	shalt  }
0x83: {  	_ =	shalt  }
0x84: {  	_ =	shalt  }
0x85: {  	_ =	shalt  }
0x86: {  	_ =	shalt  }
0x87: {  	_ =	shalt  }
.Lfunc_end0:
.L_simem_size_0:
called_computation_lowered:
.L_overlay_start_0:
0x88: {  	s2 =	sld [smem:$0x3FD9]  }
0x89: {  	s3 =	sld [smem:$0x3FFE];
	_ =	sdelay $0x1  }
0x8a: {  	s1 =	srdreg.scid  }
0x8b: {  	s0 =	sand.u32 $0x1, s1  }
0x8c: {  	s17 =	sshll.u32 s0, $0xA;
	s2 =	sadd.s32 s3, s2  }
0x8d: {  	s2 =	sadd.s32 s2, s17  }
0x8e: {  	[smem:$0x3FB4] =	sst s2  }
0x8f: {  	_ = 	snop  }
0x90: {  	s2 =	sld [smem:$0x3FD0];
	(tm) =	ssettm $0x1  }
0x91: {  	s18 =	sld [smem:$0x3FFB];
	_ =	sdelay $0x3  }
0x92: {  	_ =	strace s18  }
0x93: {  	s3 =	sld [smem:$0x3FFC];
	_ =	sdelay $0x3  }
0x94: {  	_ =	strace s3  }
0x95: {  	s3 =	sld [smem:$0x3FFD];
	_ =	sdelay $0x3  }
0x96: {  	_ =	strace s3  }
0x97: {  	_ =	strace $0x8FFFFFFF  }
0x98: {  	s19 =	sld [smem:$0x3FDB];
	_ =	sdelay $0x1  }
0x99: {  	s4 =	simm.s32 $_scs_section_size  }
0x9a: {  	s5 =	simm.s32 $_size__tile_overlayer_lowered;
	s6 =	simm.s32 $_tile_overlayer_lowered  }
0x9b: {  	s22 =	simm.s32 $0x1BFF;
	s21 =	sshll.u32 s6, $0x1;
	s3 =	sadd.s32 s4, s19  }
0x9c: {  	s7 =	simm.s32 $0x0;
	s20 =	sshll.u32 s5, $0x1;
	s5 =	sadd.s32 s21, s3  }
0x9d: {  	[timem:s7], [sflag:s22] =	dma.local [hbm:s5], s20  }
0x9e: {  	_ =	swait.ge [sflag:s22], s20  }
0x9f: {  	s4 =	ssub.s32 $0x0, s20;
	[sflag:s22] =	ssyncset.done $0x0  }
0xa0: {  	[sflag:s22] =	ssyncadd.s32 s4;
	_ =	sdelay $0x1  }
0xa1: {  	s23 =	simm.s32 $0x1B8B  }
0xa2: {  	_ =	swait.ge [sflag:s23], $0x1  }
0xa3: {  	[sflag:s23] =	ssyncset.done $0x0  }
0xa4: {  	s25 =	simm.s32 $0x1B8E;
	s24 =	sld [smem:$0x3FFE];
	[sflag:s23] =	ssyncadd.s32 $0xFFFFFFFF  }
0xa5: {  	s26 =	simm.s32 $execute0_lowered;
	[smem:$0x3FD2] =	sst s25  }
0xa6: {  	s5 =	sshll.u32 s26, $0x1;
	_ =	strace $0x80000046;
	[dreg:$0x1] =	wrdreg $0xFFFFFFFF  }
0xa7: {  	s28 =	simm.s32 $_size_execute0_lowered;
	s3 =	sadd.s32 s3, s5;
	[dreg:$0x0] =	wrdreg $0x0  }
0xa8: {  	s5 =	sshll.u32 s28, $0x1;
	[dreg:$0x2] =	wrdreg s3  }
0xa9: {  	[dreg:$0x3] =	wrdreg s5  }
0xaa: {  	[dreg:$0x4] =	wrdreg $0xC0  }
0xab: {  	_ =	task [dreg:s7], $0x5FFFF  }
0xac: {  	[dreg:$0x1] =	wrdreg $0xFFFFFFFF  }
0xad: {  	[dreg:$0x0] =	wrdreg $0x60  }
0xae: {  	[dreg:$0x2] =	wrdreg s24  }
0xaf: {  	[dreg:$0x3] =	wrdreg s2  }
0xb0: {  	[dreg:$0x4] =	wrdreg $0x9  }
0xb1: {  	_ =	task.clear_ibuf [dreg:s7], $0x5FFFF;
	_ =	strace $0x90000046  }
0xb2: {  	s29 =	simm.s32 $0x9;
	_ =	strace $0x80000048  }
0xb3: {  	_ =	swait.ge [sflag:s29], $0x1  }
0xb4: {  	[sflag:s29] =	ssyncadd.s32 $0xFFFFFFFF  }
0xb5: {  	_ =	strace $0x90000048  }
0xb6: {  	_ =	sfence  }
0xb7: {  	s30 =	sld [smem:$0x0];
	_ =	sdelay $0x2  }
0xb8: {  	s31 =	sshll.u32 s1, $0xD;
	s1 =	sshrl.u32 s1, $0x2  }
0xb9: {  	s3 =	sand.u32 $0x4000, s31;
	s1 =	sadd.s32 s1, s30  }
0xba: {  	s0 =	sor.u32 s3, s0;
	s1 =	sshll.u32 s1, $0x11  }
0xbb: {  	s0 =	sor.u32 s1, s0  }
0xbc: {  	s0 =	sadd.s32 $0x8F2B, s0  }
0xbd: {  	[sflag:s0] =	ssyncadd.remote.s32 $0x1  }
0xbe: {  	_ =	sfence.sel $0xFFFF  }
0xbf: {  	[dreg:$0x0] =	wrdreg $0xFFFFFFFF;
	(pc) =	sbr.abs _section_cstart, $3  }
0xc0: {  	[dreg:$0x1] =	wrdreg $0xFFFFFFFF  }
0xc1: {  	_ =	task.clear_ibuf [dreg:s7], $0x2FFFF;
	_ =	strace $0x9FFFFFFF  }
0xc2: {  	(tm) =	ssettm $0x7FFFFFFF  }
0xc3: {  	_ =	shalt  }
tec
execute0_lowered:
.L_overlay_start_1:
0x0: {  	(tag) =	ssettag $0x1  }
0x1: {  	s5 =	rddreg [dreg:$0x0]  }
0x2: {  	s12 =	rddreg [dreg:$0x1]  }
0x3: {  	s0 =	rddreg [dreg:$0x2]  }
0x4: {  	s2 =	simm.s32 $0x0;
	s3 =	srdreg.scid;
	s1 =	stileid.u32  }
0x5: {  	[smem:$0x7FF] =	sst s2;
	s10 =	sand.u32 $0x1, s3;
	s3 =	sadd.s32 $0x266C00, s5  }
0x6: {  	s4 =	sshll.u32 s1, $0x1;
	s11 =	sadd.s32 $0x3ED800, s5;
	s15 =	smul.u32 $0xC350, s1  }
0x7: {  	s13 =	sadd.s32 $0x4200, s5;
	s14 =	sadd.s32 $0x1022800, s5;
	s17 =	smul.u32 $0xC3500, s1  }
0x8: {  	s6 =	sor.u32 s10, s4;
	s7 =	ssub.s32 $0x2, s10;
	s16 =	smul.u32 $0x61A8, s10  }
0x9: {  	_ =	strace $0x80000047;
	s6 =	smul.u32 $0x61A8, s6;
	s8 =	sshrl.u32 s7, $0x1  }
0xa: {  	s4 =	sadd.s32 $0x32A200, s5;
	s18 =	smul.u32 $0x61A80, s10;
	s28 =	ssub.s32 s7, s8  }
0xb: {  	s31 =	sadd.s32 s16, s15;
	s16 =	simm.s32 $0x100;
	s29 =	sadd.s32 $0x6128, s6  }
0xc: {  	s5 =	smax.u32 s28, $0x1;
	s15 =	sshrl.u32 s31, $0x3;
	s30 =	sshrl.u32 s29, $0x3  }
0xd: {  	s9 =	sshll.u32 s29, $0x4;
	s6 =	sadd.s32 s13, s30;
	s7 =	sadd.s32 s12, s30  }
0xe: {  	s8 =	sadd.s32 s11, s9;
	s9 =	sadd.s32 s14, s9;
	s11 =	sadd.s32 s17, s11  }
0xf: {  	s14 =	sadd.s32 s17, s14;
	s12 =	sadd.s32 s15, s12;
	s13 =	sadd.s32 s15, s13  }
0x10: {  	s15 =	simm.s32 $0x1;
	s17 =	simm.s32 $0x4100;
	s10 =	sadd.s32 s18, s11  }
0x11: {  	s11 =	sadd.s32 s18, s14;
	s14 =	simm.s32 $0x80;
	s18 =	simm.s32 $0x0  }
.LBB2_1:
0x12: {  	s19 =	sadd.s32 $0x0, s13  }
0x13: {  	[tilespmem:s2], [sflag:$0x1] =	stream.linear.gather [hbm4b:s19+s2], $0x80, $0x38;
	[tilespmem:$0x8100] =	vst v63  }
0x14: {  	s31 =	sadd.s32 $0x0, s12  }
0x15: {  	[tilespmem:s14], [sflag:$0x1] =	stream.linear.gather [hbm4b:s31+s2], $0x80, $0x38;
	[tilespmem:$0x8100] =	vst v63  }
0x16: {  	_ =	swait.ge [sflag:s15], $0x80  }
0x17: {  	[sflag:s15] =	ssyncset.done $0x0  }
0x18: {  	[sflag:s15] =	ssyncadd.s32 $0xFFFFFF80  }
0x19: {  	_ =	swait.ge [sflag:s15], $0x80  }
0x1a: {  	[sflag:s15] =	ssyncset.done $0x0  }
0x1b: {  	[sflag:s15] =	ssyncadd.s32 $0xFFFFFF80  }
0x1c: {  	[tilespmem:s16], [sflag:$0x1] =	stream.indirect.gather [hbm4b:s3+s14], $0x80, s2, s14, $0xb8;
	[tilespmem:$0x8100] =	vst v63  }
0x1d: {  	_ = 	snop  }
0x1e: {  	[tilespmem:s17], [sflag:$0x1] =	stream.indirect.gather [hbm4b:s4+s14], $0x80, s14, s14, $0xb8;
	[tilespmem:$0x8100] =	vst v63  }
0x1f: {  	_ =	swait.ge [sflag:s15], $0x4000  }
0x20: {  	[sflag:s15] =	ssyncset.done $0x0  }
0x21: {  	[sflag:s15] =	ssyncadd.s32 $0xFFFFC000  }
0x22: {  	_ =	swait.ge [sflag:s15], $0x4000  }
0x23: {  	[sflag:s15] =	ssyncset.done $0x0  }
0x24: {  	[sflag:s15] =	ssyncadd.s32 $0xFFFFC000  }
0x25: {  	[hbm4b:s10+s2] =	stream.linear.scatter [tilespmem:s16], [sflag:$0x1], $0x4000, $0x38;
	[tilespmem:$0x8100] =	vst v63  }
0x26: {  	_ = 	snop  }
0x27: {  	[hbm4b:s11+s2] =	stream.linear.scatter [tilespmem:s17], [sflag:$0x1], $0x4000, $0x38;
	[tilespmem:$0x8100] =	vst v63  }
0x28: {  	_ =	swait.ge [sflag:s15], $0x4000  }
0x29: {  	[sflag:s15] =	ssyncset.done $0x0  }
0x2a: {  	[sflag:s15] =	ssyncadd.s32 $0xFFFFC000  }
0x2b: {  	s21 =	simm.s32 $0x10;
	s22 =	simm.s32 $0x20;
	_ =	swait.ge [sflag:s15], $0x4000  }
0x2c: {  	s20 =	sadd.s32 $0x800, s11;
	s19 =	sadd.s32 $0x800, s10;
	[sflag:s15] =	ssyncset.done $0x0  }
.LBB2_2:
0x2d: {  	s23 =	sadd.s32 s21, s13  }
0x2e: {  	[sflag:s15] =	ssyncadd.s32 $0xFFFFC000;
	s24 =	smov.u32 s22;
	s25 =	sadd.s32 $0x10, s22  }
0x2f: {  	[tilespmem:s2], [sflag:$0x1] =	stream.linear.gather [hbm4b:s23+s2], $0x80, $0x38;
	[tilespmem:$0x8100] =	vst v63  }
0x30: {  	p0 =	sne.s32 s22, $0xC20;
	s22 =	sadd.s32 s21, s12;
	s21 =	smov.u32 s24  }
0x31: {  	[tilespmem:s14], [sflag:$0x1] =	stream.linear.gather [hbm4b:s22+s2], $0x80, $0x38;
	[tilespmem:$0x8100] =	vst v63  }
0x32: {  	_ =	swait.ge [sflag:s15], $0x80  }
0x33: {  	[sflag:s15] =	ssyncset.done $0x0  }
0x34: {  	[sflag:s15] =	ssyncadd.s32 $0xFFFFFF80  }
0x35: {  	_ =	swait.ge [sflag:s15], $0x80  }
0x36: {  	[sflag:s15] =	ssyncset.done $0x0  }
0x37: {  	[sflag:s15] =	ssyncadd.s32 $0xFFFFFF80  }
0x38: {  	[tilespmem:s16], [sflag:$0x1] =	stream.indirect.gather [hbm4b:s3+s14], $0x80, s2, s14, $0xb8;
	[tilespmem:$0x8100] =	vst v63  }
0x39: {  	_ = 	snop  }
0x3a: {  	[tilespmem:s17], [sflag:$0x1] =	stream.indirect.gather [hbm4b:s4+s14], $0x80, s14, s14, $0xb8;
	[tilespmem:$0x8100] =	vst v63  }
0x3b: {  	_ =	swait.ge [sflag:s15], $0x4000  }
0x3c: {  	[sflag:s15] =	ssyncset.done $0x0  }
0x3d: {  	[sflag:s15] =	ssyncadd.s32 $0xFFFFC000  }
0x3e: {  	_ =	swait.ge [sflag:s15], $0x4000  }
0x3f: {  	[sflag:s15] =	ssyncset.done $0x0  }
0x40: {  	[sflag:s15] =	ssyncadd.s32 $0xFFFFC000  }
0x41: {  	[hbm4b:s19+s2] =	stream.linear.scatter [tilespmem:s16], [sflag:$0x1], $0x4000, $0x38;
	[tilespmem:$0x8100] =	vst v63  }
0x42: {  	_ = 	snop  }
0x43: {  	[hbm4b:s20+s2] =	stream.linear.scatter [tilespmem:s17], [sflag:$0x1], $0x4000, $0x38;
	[tilespmem:$0x8100] =	vst v63  }
.Ltmp0:
0x44: {  	_ =	swait.ge [sflag:s15], $0x4000;
	(pc) =	sbr.rel @p0 .LBB2_2-.Ltmp0, $4  }
0x45: {  	[sflag:s15] =	ssyncset.done $0x0  }
0x46: {  	[sflag:s15] =	ssyncadd.s32 $0xFFFFC000  }
0x47: {  	s22 =	smov.u32 s25;
	_ =	swait.ge [sflag:s15], $0x4000  }
0x48: {  	s19 =	sadd.s32 $0x800, s19;
	s20 =	sadd.s32 $0x800, s20;
	[sflag:s15] =	ssyncset.done $0x0  }
0x49: {  	s22 =	sadd.s32 s21, s13;
	[sflag:s15] =	ssyncadd.s32 $0xFFFFC000  }
0x4a: {  	[tilespmem:s2], [sflag:$0x1] =	stream.linear.gather [hbm4b:s22+s2], $0x80, $0x38;
	[tilespmem:$0x8100] =	vst v63  }
0x4b: {  	s31 =	sadd.s32 s21, s12  }
0x4c: {  	[tilespmem:s14], [sflag:$0x1] =	stream.linear.gather [hbm4b:s31+s2], $0x80, $0x38;
	[tilespmem:$0x8100] =	vst v63  }
0x4d: {  	_ =	swait.ge [sflag:s15], $0x80  }
0x4e: {  	[sflag:s15] =	ssyncset.done $0x0  }
0x4f: {  	[sflag:s15] =	ssyncadd.s32 $0xFFFFFF80  }
0x50: {  	_ =	swait.ge [sflag:s15], $0x80  }
0x51: {  	[sflag:s15] =	ssyncset.done $0x0  }
0x52: {  	[sflag:s15] =	ssyncadd.s32 $0xFFFFFF80  }
0x53: {  	[tilespmem:s16], [sflag:$0x1] =	stream.indirect.gather [hbm4b:s3+s14], $0x80, s2, s14, $0xb8;
	[tilespmem:$0x8100] =	vst v63  }
0x54: {  	_ = 	snop  }
0x55: {  	[tilespmem:s17], [sflag:$0x1] =	stream.indirect.gather [hbm4b:s4+s14], $0x80, s14, s14, $0xb8;
	[tilespmem:$0x8100] =	vst v63  }
0x56: {  	_ =	swait.ge [sflag:s15], $0x4000  }
0x57: {  	[sflag:s15] =	ssyncset.done $0x0  }
0x58: {  	[sflag:s15] =	ssyncadd.s32 $0xFFFFC000  }
0x59: {  	_ =	swait.ge [sflag:s15], $0x4000  }
0x5a: {  	[sflag:s15] =	ssyncset.done $0x0  }
0x5b: {  	[sflag:s15] =	ssyncadd.s32 $0xFFFFC000  }
0x5c: {  	[hbm4b:s19+s2] =	stream.linear.scatter [tilespmem:s16], [sflag:$0x1], $0x4000, $0x38;
	[tilespmem:$0x8100] =	vst v63  }
0x5d: {  	_ = 	snop  }
0x5e: {  	[hbm4b:s20+s2] =	stream.linear.scatter [tilespmem:s17], [sflag:$0x1], $0x4000, $0x38;
	[tilespmem:$0x8100] =	vst v63  }
0x5f: {  	_ =	swait.ge [sflag:s15], $0x4000  }
0x60: {  	[sflag:s15] =	ssyncset.done $0x0  }
0x61: {  	[sflag:s15] =	ssyncadd.s32 $0xFFFFC000  }
0x62: {  	_ =	swait.ge [sflag:s15], $0x4000  }
0x63: {  	[sflag:s15] =	ssyncset.done $0x0  }
0x64: {  	[sflag:s15] =	ssyncadd.s32 $0xFFFFC000  }
0x65: {  	[tilespmem:s2], [sflag:$0x1] =	stream.linear.gather [hbm4b:s6+s2], $0x80, $0x38;
	[tilespmem:$0x8100] =	vst v63  }
0x66: {  	_ = 	snop  }
0x67: {  	[tilespmem:s14], [sflag:$0x1] =	stream.linear.gather [hbm4b:s7+s2], $0x80, $0x38;
	[tilespmem:$0x8100] =	vst v63  }
0x68: {  	_ =	swait.ge [sflag:s15], $0x80  }
0x69: {  	[sflag:s15] =	ssyncset.done $0x0  }
0x6a: {  	[sflag:s15] =	ssyncadd.s32 $0xFFFFFF80  }
0x6b: {  	_ =	swait.ge [sflag:s15], $0x80  }
0x6c: {  	[sflag:s15] =	ssyncset.done $0x0  }
0x6d: {  	[sflag:s15] =	ssyncadd.s32 $0xFFFFFF80  }
0x6e: {  	[tilespmem:s16], [sflag:$0x1] =	stream.indirect.gather [hbm4b:s3+s14], $0x80, s2, s14, $0xb8;
	[tilespmem:$0x8100] =	vst v63  }
0x6f: {  	_ = 	snop  }
0x70: {  	[tilespmem:s17], [sflag:$0x1] =	stream.indirect.gather [hbm4b:s4+s14], $0x80, s14, s14, $0xb8;
	[tilespmem:$0x8100] =	vst v63  }
0x71: {  	_ =	swait.ge [sflag:s15], $0x4000  }
0x72: {  	[sflag:s15] =	ssyncset.done $0x0  }
0x73: {  	[sflag:s15] =	ssyncadd.s32 $0xFFFFC000  }
0x74: {  	_ =	swait.ge [sflag:s15], $0x4000  }
0x75: {  	[sflag:s15] =	ssyncset.done $0x0  }
0x76: {  	[sflag:s15] =	ssyncadd.s32 $0xFFFFC000  }
0x77: {  	[hbm4b:s8+s2] =	stream.linear.scatter [tilespmem:s16], [sflag:$0x1], $0x4000, $0x38;
	[tilespmem:$0x8100] =	vst v63  }
0x78: {  	s18 =	sadd.s32 $0x1, s18  }
0x79: {  	[hbm4b:s9+s2] =	stream.linear.scatter [tilespmem:s17], [sflag:$0x1], $0x4000, $0x38;
	[tilespmem:$0x8100] =	vst v63  }
0x7a: {  	p0 =	sne.s32 s18, s5;
	_ =	swait.ge [sflag:s15], $0x4000  }
.Ltmp1:
0x7b: {  	[sflag:s15] =	ssyncset.done $0x0;
	(pc) =	sbr.rel @p0 .LBB2_1-.Ltmp1, $4  }
0x7c: {  	[sflag:s15] =	ssyncadd.s32 $0xFFFFC000  }
0x7d: {  	_ =	swait.ge [sflag:s15], $0x4000  }
0x7e: {  	[sflag:s15] =	ssyncset.done $0x0  }
0x7f: {  	[sflag:s15] =	ssyncadd.s32 $0xFFFFC000  }
0x80: {  	_ =	sfence.sel $0x180000  }
0x81: {  	[bflag:$0x0] =	sbarrier.arrive $0xFFFF  }
0x82: {  	p0 =	sne.s32 s1, $0x0;
	_ =	strace $0x90000047  }
0x83: {  	s0 =	sadd.s32 @!p0 $0x100000, s0;
	[bflag:$0x2] =	sbarrier.arrive $0xFFFF  }
0x84: {  	[sflag:s0] =	ssyncadd.tile.s32 @!p0 $0x1;
	_ =	shalt  }
.Lfunc_end2:
_tile_overlayer_lowered:
.L_overlay_start_2:
0x85: {  	(tag) =	ssettag $0x2  }
0x86: {  	s0 =	rddreg [dreg:$0x0];
	s2 =	stileid.u32  }
0x87: {  	s1 =	rddreg [dreg:$0x1];
	p0 =	sne.s32 s2, $0x0  }
0x88: {  	s3 =	rddreg [dreg:$0x2];
	[bflag:$0x3] =	sbarrier.arrive $0xFFFF;
	s2 =	simm.s32 @!p0 $0x1C02  }
0x89: {  	[timem:s3], [sflag:s2] =	dma.local @!p0 [hbm:s0], s1  }
0x8a: {  	s0 =	simm.s32 @!p0 $0x2  }
0x8b: {  	_ =	swait.ge @!p0 [sflag:s0], s1  }
0x8c: {  	s1 =	ssub.s32 @!p0 $0x0, s1;
	[sflag:s0] =	ssyncset.done @!p0 $0x0  }
0x8d: {  	[sflag:s0] =	ssyncadd.s32 @!p0 s1  }
0x8e: {  	[bflag:$0x3] =	sbarrier.arrive $0xFFFF  }
0x8f: {  	_ =	shalt  }

</sc_bundles>
